<compile_context>
chip_gen: v7x
topology: tpu7x:2x2x1
jax: 0.10.2.dev20260603
libtpu: 0.0.44.dev20260713+nightly
codegen_flags: <defaults>
</compile_context>

<pallas_src>
import jax
import jax.numpy as jnp
from jax import lax
from jax.experimental import pallas as pl
from jax.experimental.pallas import tpu as pltpu
from jax.experimental.pallas import tpu_sc as plsc

EMBED_DIM = 232
NUM_SYMBOLS = 100
ROWS_PER_WORKER = 8
NUM_WORKERS = 13
PAD_ROWS = NUM_WORKERS * ROWS_PER_WORKER
CHUNK_STARTS = tuple(range(0, 224, 16)) + (EMBED_DIM - 16,)


def _gather_body(x_hbm, table_hbm, out_hbm, xblk_v, grp_v, rows_v, sem):
    wid = lax.axis_index("s")

    @pl.when(wid < NUM_WORKERS)
    def _():
        base = wid * ROWS_PER_WORKER
        pltpu.sync_copy(x_hbm.at[pl.ds(0, 8), pl.ds(0, 128)], xblk_v)
        idx = xblk_v[0, pl.ds(base, 16)]
        for j in range(ROWS_PER_WORKER):
            r = idx[j]
            g8 = pl.multiple_of((r >> 3) << 3, 8)
            pltpu.async_copy(table_hbm.at[pl.ds(g8, 8)], grp_v.at[j], sem)
        for j in range(ROWS_PER_WORKER):
            pltpu.make_async_copy(
                table_hbm.at[pl.ds(0, 8)], grp_v.at[j], sem).wait()
        for j in range(ROWS_PER_WORKER):
            r = idx[j]
            sub = r & 7
            for start in CHUNK_STARTS:
                rows_v[j, pl.ds(start, 16)] = grp_v[j, sub, pl.ds(start, 16)]
        pltpu.sync_copy(rows_v, out_hbm.at[pl.ds(base, ROWS_PER_WORKER)])


def kernel(x, table):
    mesh = plsc.VectorSubcoreMesh(core_axis_name="c", subcore_axis_name="s", num_cores=1)
    out = pl.kernel(
        _gather_body,
        out_type=jax.ShapeDtypeStruct((PAD_ROWS, EMBED_DIM), jnp.float32),
        mesh=mesh,
        scratch_types=[
            pltpu.VMEM((8, 128), jnp.int32),
            pltpu.VMEM((ROWS_PER_WORKER, 8, EMBED_DIM), jnp.float32),
            pltpu.VMEM((ROWS_PER_WORKER, EMBED_DIM), jnp.float32),
            pltpu.SemaphoreType.DMA,
        ],
    )(x, table)
    return out[:NUM_SYMBOLS]

# --- scband reference (transcript-rebuilt; emitter-appended) ---
"""Pipeline reference for scband-symbol-net-76441827934993 (READ-ONLY COPY).

The authoritative reference and input builder live on the scoring server;
editing this copy changes nothing except your own understanding.
"""

import jax, jax.numpy as jnp
import numpy as np

VOCAB = 10000
EMBED_DIM = 232
BATCH = 4096
SEQ_LEN = 200
# The original forward selects 'symbol' token positions from sequence 0 using an
# external tokenizer and an undefined global `idx`. We replace that undefined,
# data-dependent selection with a deterministic prefix of NUM_SYMBOLS positions,
# which reproduces the same gather/concat structure: symbols = embeds[0][0:NUM_SYMBOLS].
NUM_SYMBOLS = 100


def setup_inputs(seed: int = 0) -> dict:
    key = jax.random.key(seed)
    k1, k2 = jax.random.split(key)
    x = jax.random.randint(k1, (BATCH, SEQ_LEN), 0, VOCAB, dtype=jnp.int32)
    table = jax.random.normal(k2, (VOCAB, EMBED_DIM), dtype=jnp.float32) * 0.02
    return {"x": x, "table": table}


def reference(x, table):
    # wvectors = self.wordvecs(X)
    embeds = jnp.take(table, x, axis=0)  # [B, L, 232] embedding gather
    # symbols = embeds[0][idx]; then cat embeds[0][i+1] for i in range(len(reserves)-1)
    # -> rows 0..NUM_SYMBOLS-1 of the first sequence's embeddings
    symbols = embeds[0, :NUM_SYMBOLS, :]  # [NUM_SYMBOLS, 232]
    return symbols

if __name__ == "__main__":
    import jax
    _d = setup_inputs()
    print(jax.jit(kernel)(*tuple(_d.values())))

</pallas_src>

<mosaic_0001>
#map = affine_map<(d0, d1) -> (0, 0)>
module attributes {stable_mosaic.version = 14 : i64} {
  func.func @_gather_body(%arg0: i32, %arg1: i32, %arg2: memref<4096x200xi32, #tpu.memory_space<hbm>>, %arg3: memref<10000x232xf32, #tpu.memory_space<hbm>>, %arg4: memref<104x232xf32, #tpu.memory_space<hbm>>, %arg5: memref<8x128xi32, #tpu.memory_space<vmem>>, %arg6: memref<8x8x232xf32, #tpu.memory_space<vmem>>, %arg7: memref<8x232xf32, #tpu.memory_space<vmem>>, %arg8: memref<!tpu.dma_semaphore, #tpu.memory_space<semaphore_mem>>) attributes {dimension_semantics = [#tpu.dimension_semantics<core_parallel>, #tpu.dimension_semantics<subcore_parallel>], iteration_bounds = array<i64: 1, 16>, scalar_prefetch = 0 : i64, scratch_operands = 4 : i64, tpu.core_type = #tpu.core_type<sc_vector_subcore>, window_params = [{transform_indices = #map}, {transform_indices = #map}, {transform_indices = #map}]} {
    %lt3A = arith.constant 13 : i32
    %lt3A_0 = arith.cmpi slt, %arg1, %lt3A : i32
    %convert_element_type3A = arith.extui %lt3A_0 : i1 to i32
    %cond3A = arith.constant 0 : i32
    %cond3A_1 = arith.cmpi ne, %convert_element_type3A, %cond3A : i32
    scf.if %cond3A_1 {
      %mul3A = arith.constant 8 : i32
      %mul3A_2 = arith.muli %arg1, %mul3A : i32
      "tpu.region"() ({
        %run_scoped3A = tpu.sem_alloc : memref<!tpu.dma_semaphore, #tpu.memory_space<semaphore_mem>>
        %dma_start3A_1750 = arith.constant 0 : i32
        %dma_start3A_1751 = arith.constant 0 : i32
        %dma_start3A_1752 = tpu.memref_slice %arg2[%dma_start3A_1750, %dma_start3A_1751] : memref<4096x200xi32, #tpu.memory_space<hbm>> -> memref<8x128xi32, #tpu.memory_space<hbm>>
        %dma_start3A_1753 = arith.constant 0 : i32
        %dma_start3A_1754 = arith.constant 0 : i32
        %dma_start3A_1755 = tpu.memref_slice %arg2[%dma_start3A_1753, %dma_start3A_1754] : memref<4096x200xi32, #tpu.memory_space<hbm>> -> memref<8x128xi32, #tpu.memory_space<hbm>>
        tpu.enqueue_dma source(%dma_start3A_1755 : memref<8x128xi32, #tpu.memory_space<hbm>>) target(%arg5 : memref<8x128xi32, #tpu.memory_space<vmem>>) target_semaphore(%run_scoped3A : memref<!tpu.dma_semaphore, #tpu.memory_space<semaphore_mem>>)
        %dma_wait3A_1756 = arith.constant 0 : i32
        %dma_wait3A_1757 = arith.constant 0 : i32
        %dma_wait3A_1758 = tpu.memref_slice %arg2[%dma_wait3A_1756, %dma_wait3A_1757] : memref<4096x200xi32, #tpu.memory_space<hbm>> -> memref<8x128xi32, #tpu.memory_space<hbm>>
        %dma_wait3A_1759 = arith.constant 0 : i32
        %dma_wait3A_1760 = arith.constant 0 : i32
        %dma_wait3A_1761 = tpu.memref_slice %arg2[%dma_wait3A_1759, %dma_wait3A_1760] : memref<4096x200xi32, #tpu.memory_space<hbm>> -> memref<8x128xi32, #tpu.memory_space<hbm>>
        tpu.wait_dma2 semaphore(%run_scoped3A : memref<!tpu.dma_semaphore, #tpu.memory_space<semaphore_mem>>) src(%dma_wait3A_1761 : memref<8x128xi32, #tpu.memory_space<hbm>>) dst(%arg5 : memref<8x128xi32, #tpu.memory_space<vmem>>)
        tpu.yield
      }) : () -> ()
      %get3A = arith.constant 0 : i32
      %get3A_3 = arith.index_cast %get3A : i32 to index
      %get3A_4 = arith.index_cast %mul3A_2 : i32 to index
      %get3A_5 = tpu.vector_load %arg5[%get3A_3, %get3A_4] {strides = array<i32>} : memref<8x128xi32, #tpu.memory_space<vmem>>, vector<1x16xi32>,
      %get3A_6 = vector.shape_cast %get3A_5 : vector<1x16xi32> to vector<16xi32>
      %slice3A = vector.extract_strided_slice %get3A_6 {offsets = [0], sizes = [1], strides = [1]} : vector<16xi32> to vector<1xi32>
      %squeeze3A = vector.extract %slice3A[0] : i32 from vector<1xi32>
      %shift_right_arithmetic3A = arith.constant 3 : i32
      %shift_right_arithmetic3A_7 = arith.shrsi %squeeze3A, %shift_right_arithmetic3A : i32
      %shift_left3A = arith.constant 3 : i32
      %shift_left3A_8 = arith.shli %shift_right_arithmetic3A_7, %shift_left3A : i32
      %multiple_of3A = tpu.assume_multiple %shift_left3A_8, 8 : i32
      %dma_start3A = arith.constant 0 : i32
      %dma_start3A_9 = arith.constant 0 : i32
      %dma_start3A_10 = arith.constant 0 : i32
      %dma_start3A_11 = tpu.memref_slice %arg6[%dma_start3A, %dma_start3A_9, %dma_start3A_10] : memref<8x8x232xf32, #tpu.memory_space<vmem>> -> memref<1x8x232xf32, #tpu.memory_space<vmem>>
      %dma_start3A_12 = tpu.memref_squeeze %dma_start3A_11 : memref<1x8x232xf32, #tpu.memory_space<vmem>> -> memref<8x232xf32, #tpu.memory_space<vmem>>
      %dma_start3A_13 = arith.constant 0 : i32
      %dma_start3A_14 = tpu.memref_slice %arg3[%multiple_of3A, %dma_start3A_13] : memref<10000x232xf32, #tpu.memory_space<hbm>> -> memref<8x232xf32, #tpu.memory_space<hbm>>
      %dma_start3A_15 = arith.constant 0 : i32
      %dma_start3A_16 = arith.constant 0 : i32
      %dma_start3A_17 = tpu.memref_slice %arg6[%dma_start3A, %dma_start3A_15, %dma_start3A_16] : memref<8x8x232xf32, #tpu.memory_space<vmem>> -> memref<1x8x232xf32, #tpu.memory_space<vmem>>
      %dma_start3A_18 = tpu.memref_squeeze %dma_start3A_17 : memref<1x8x232xf32, #tpu.memory_space<vmem>> -> memref<8x232xf32, #tpu.memory_space<vmem>>
      %dma_start3A_19 = arith.constant 0 : i32
      %dma_start3A_20 = tpu.memref_slice %arg3[%multiple_of3A, %dma_start3A_19] : memref<10000x232xf32, #tpu.memory_space<hbm>> -> memref<8x232xf32, #tpu.memory_space<hbm>>
      tpu.enqueue_dma source(%dma_start3A_20 : memref<8x232xf32, #tpu.memory_space<hbm>>) target(%dma_start3A_18 : memref<8x232xf32, #tpu.memory_space<vmem>>) target_semaphore(%arg8 : memref<!tpu.dma_semaphore, #tpu.memory_space<semaphore_mem>>)
      %slice3A_21 = vector.extract_strided_slice %get3A_6 {offsets = [1], sizes = [1], strides = [1]} : vector<16xi32> to vector<1xi32>
      %squeeze3A_22 = vector.extract %slice3A_21[0] : i32 from vector<1xi32>
      %shift_right_arithmetic3A_23 = arith.constant 3 : i32
      %shift_right_arithmetic3A_24 = arith.shrsi %squeeze3A_22, %shift_right_arithmetic3A_23 : i32
      %shift_left3A_25 = arith.constant 3 : i32
      %shift_left3A_26 = arith.shli %shift_right_arithmetic3A_24, %shift_left3A_25 : i32
      %multiple_of3A_27 = tpu.assume_multiple %shift_left3A_26, 8 : i32
      %dma_start3A_28 = arith.constant 1 : i32
      %dma_start3A_29 = arith.constant 0 : i32
      %dma_start3A_30 = arith.constant 0 : i32
      %dma_start3A_31 = tpu.memref_slice %arg6[%dma_start3A_28, %dma_start3A_29, %dma_start3A_30] : memref<8x8x232xf32, #tpu.memory_space<vmem>> -> memref<1x8x232xf32, #tpu.memory_space<vmem>>
      %dma_start3A_32 = tpu.memref_squeeze %dma_start3A_31 : memref<1x8x232xf32, #tpu.memory_space<vmem>> -> memref<8x232xf32, #tpu.memory_space<vmem>>
      %dma_start3A_33 = arith.constant 0 : i32
      %dma_start3A_34 = tpu.memref_slice %arg3[%multiple_of3A_27, %dma_start3A_33] : memref<10000x232xf32, #tpu.memory_space<hbm>> -> memref<8x232xf32, #tpu.memory_space<hbm>>
      %dma_start3A_35 = arith.constant 0 : i32
      %dma_start3A_36 = arith.constant 0 : i32
      %dma_start3A_37 = tpu.memref_slice %arg6[%dma_start3A_28, %dma_start3A_35, %dma_start3A_36] : memref<8x8x232xf32, #tpu.memory_space<vmem>> -> memref<1x8x232xf32, #tpu.memory_space<vmem>>
      %dma_start3A_38 = tpu.memref_squeeze %dma_start3A_37 : memref<1x8x232xf32, #tpu.memory_space<vmem>> -> memref<8x232xf32, #tpu.memory_space<vmem>>
      %dma_start3A_39 = arith.constant 0 : i32
      %dma_start3A_40 = tpu.memref_slice %arg3[%multiple_of3A_27, %dma_start3A_39] : memref<10000x232xf32, #tpu.memory_space<hbm>> -> memref<8x232xf32, #tpu.memory_space<hbm>>
      tpu.enqueue_dma source(%dma_start3A_40 : memref<8x232xf32, #tpu.memory_space<hbm>>) target(%dma_start3A_38 : memref<8x232xf32, #tpu.memory_space<vmem>>) target_semaphore(%arg8 : memref<!tpu.dma_semaphore, #tpu.memory_space<semaphore_mem>>)
      %slice3A_41 = vector.extract_strided_slice %get3A_6 {offsets = [2], sizes = [1], strides = [1]} : vector<16xi32> to vector<1xi32>
      %squeeze3A_42 = vector.extract %slice3A_41[0] : i32 from vector<1xi32>
      %shift_right_arithmetic3A_43 = arith.constant 3 : i32
      %shift_right_arithmetic3A_44 = arith.shrsi %squeeze3A_42, %shift_right_arithmetic3A_43 : i32
      %shift_left3A_45 = arith.constant 3 : i32
      %shift_left3A_46 = arith.shli %shift_right_arithmetic3A_44, %shift_left3A_45 : i32
      %multiple_of3A_47 = tpu.assume_multiple %shift_left3A_46, 8 : i32
      %dma_start3A_48 = arith.constant 2 : i32
      %dma_start3A_49 = arith.constant 0 : i32
      %dma_start3A_50 = arith.constant 0 : i32
      %dma_start3A_51 = tpu.memref_slice %arg6[%dma_start3A_48, %dma_start3A_49, %dma_start3A_50] : memref<8x8x232xf32, #tpu.memory_space<vmem>> -> memref<1x8x232xf32, #tpu.memory_space<vmem>>
      %dma_start3A_52 = tpu.memref_squeeze %dma_start3A_51 : memref<1x8x232xf32, #tpu.memory_space<vmem>> -> memref<8x232xf32, #tpu.memory_space<vmem>>
      %dma_start3A_53 = arith.constant 0 : i32
      %dma_start3A_54 = tpu.memref_slice %arg3[%multiple_of3A_47, %dma_start3A_53] : memref<10000x232xf32, #tpu.memory_space<hbm>> -> memref<8x232xf32, #tpu.memory_space<hbm>>
      %dma_start3A_55 = arith.constant 0 : i32
      %dma_start3A_56 = arith.constant 0 : i32
      %dma_start3A_57 = tpu.memref_slice %arg6[%dma_start3A_48, %dma_start3A_55, %dma_start3A_56] : memref<8x8x232xf32, #tpu.memory_space<vmem>> -> memref<1x8x232xf32, #tpu.memory_space<vmem>>
      %dma_start3A_58 = tpu.memref_squeeze %dma_start3A_57 : memref<1x8x232xf32, #tpu.memory_space<vmem>> -> memref<8x232xf32, #tpu.memory_space<vmem>>
      %dma_start3A_59 = arith.constant 0 : i32
      %dma_start3A_60 = tpu.memref_slice %arg3[%multiple_of3A_47, %dma_start3A_59] : memref<10000x232xf32, #tpu.memory_space<hbm>> -> memref<8x232xf32, #tpu.memory_space<hbm>>
      tpu.enqueue_dma source(%dma_start3A_60 : memref<8x232xf32, #tpu.memory_space<hbm>>) target(%dma_start3A_58 : memref<8x232xf32, #tpu.memory_space<vmem>>) target_semaphore(%arg8 : memref<!tpu.dma_semaphore, #tpu.memory_space<semaphore_mem>>)
      %slice3A_61 = vector.extract_strided_slice %get3A_6 {offsets = [3], sizes = [1], strides = [1]} : vector<16xi32> to vector<1xi32>
      %squeeze3A_62 = vector.extract %slice3A_61[0] : i32 from vector<1xi32>
      %shift_right_arithmetic3A_63 = arith.constant 3 : i32
      %shift_right_arithmetic3A_64 = arith.shrsi %squeeze3A_62, %shift_right_arithmetic3A_63 : i32
      %shift_left3A_65 = arith.constant 3 : i32
      %shift_left3A_66 = arith.shli %shift_right_arithmetic3A_64, %shift_left3A_65 : i32
      %multiple_of3A_67 = tpu.assume_multiple %shift_left3A_66, 8 : i32
      %dma_start3A_68 = arith.constant 3 : i32
      %dma_start3A_69 = arith.constant 0 : i32
      %dma_start3A_70 = arith.constant 0 : i32
      %dma_start3A_71 = tpu.memref_slice %arg6[%dma_start3A_68, %dma_start3A_69, %dma_start3A_70] : memref<8x8x232xf32, #tpu.memory_space<vmem>> -> memref<1x8x232xf32, #tpu.memory_space<vmem>>
      %dma_start3A_72 = tpu.memref_squeeze %dma_start3A_71 : memref<1x8x232xf32, #tpu.memory_space<vmem>> -> memref<8x232xf32, #tpu.memory_space<vmem>>
      %dma_start3A_73 = arith.constant 0 : i32
      %dma_start3A_74 = tpu.memref_slice %arg3[%multiple_of3A_67, %dma_start3A_73] : memref<10000x232xf32, #tpu.memory_space<hbm>> -> memref<8x232xf32, #tpu.memory_space<hbm>>
      %dma_start3A_75 = arith.constant 0 : i32
      %dma_start3A_76 = arith.constant 0 : i32
      %dma_start3A_77 = tpu.memref_slice %arg6[%dma_start3A_68, %dma_start3A_75, %dma_start3A_76] : memref<8x8x232xf32, #tpu.memory_space<vmem>> -> memref<1x8x232xf32, #tpu.memory_space<vmem>>
      %dma_start3A_78 = tpu.memref_squeeze %dma_start3A_77 : memref<1x8x232xf32, #tpu.memory_space<vmem>> -> memref<8x232xf32, #tpu.memory_space<vmem>>
      %dma_start3A_79 = arith.constant 0 : i32
      %dma_start3A_80 = tpu.memref_slice %arg3[%multiple_of3A_67, %dma_start3A_79] : memref<10000x232xf32, #tpu.memory_space<hbm>> -> memref<8x232xf32, #tpu.memory_space<hbm>>
      tpu.enqueue_dma source(%dma_start3A_80 : memref<8x232xf32, #tpu.memory_space<hbm>>) target(%dma_start3A_78 : memref<8x232xf32, #tpu.memory_space<vmem>>) target_semaphore(%arg8 : memref<!tpu.dma_semaphore, #tpu.memory_space<semaphore_mem>>)
      %slice3A_81 = vector.extract_strided_slice %get3A_6 {offsets = [4], sizes = [1], strides = [1]} : vector<16xi32> to vector<1xi32>
      %squeeze3A_82 = vector.extract %slice3A_81[0] : i32 from vector<1xi32>
      %shift_right_arithmetic3A_83 = arith.constant 3 : i32
      %shift_right_arithmetic3A_84 = arith.shrsi %squeeze3A_82, %shift_right_arithmetic3A_83 : i32
      %shift_left3A_85 = arith.constant 3 : i32
      %shift_left3A_86 = arith.shli %shift_right_arithmetic3A_84, %shift_left3A_85 : i32
      %multiple_of3A_87 = tpu.assume_multiple %shift_left3A_86, 8 : i32
      %dma_start3A_88 = arith.constant 4 : i32
      %dma_start3A_89 = arith.constant 0 : i32
      %dma_start3A_90 = arith.constant 0 : i32
      %dma_start3A_91 = tpu.memref_slice %arg6[%dma_start3A_88, %dma_start3A_89, %dma_start3A_90] : memref<8x8x232xf32, #tpu.memory_space<vmem>> -> memref<1x8x232xf32, #tpu.memory_space<vmem>>
      %dma_start3A_92 = tpu.memref_squeeze %dma_start3A_91 : memref<1x8x232xf32, #tpu.memory_space<vmem>> -> memref<8x232xf32, #tpu.memory_space<vmem>>
      %dma_start3A_93 = arith.constant 0 : i32
      %dma_start3A_94 = tpu.memref_slice %arg3[%multiple_of3A_87, %dma_start3A_93] : memref<10000x232xf32, #tpu.memory_space<hbm>> -> memref<8x232xf32, #tpu.memory_space<hbm>>
      %dma_start3A_95 = arith.constant 0 : i32
      %dma_start3A_96 = arith.constant 0 : i32
      %dma_start3A_97 = tpu.memref_slice %arg6[%dma_start3A_88, %dma_start3A_95, %dma_start3A_96] : memref<8x8x232xf32, #tpu.memory_space<vmem>> -> memref<1x8x232xf32, #tpu.memory_space<vmem>>
      %dma_start3A_98 = tpu.memref_squeeze %dma_start3A_97 : memref<1x8x232xf32, #tpu.memory_space<vmem>> -> memref<8x232xf32, #tpu.memory_space<vmem>>
      %dma_start3A_99 = arith.constant 0 : i32
      %dma_start3A_100 = tpu.memref_slice %arg3[%multiple_of3A_87, %dma_start3A_99] : memref<10000x232xf32, #tpu.memory_space<hbm>> -> memref<8x232xf32, #tpu.memory_space<hbm>>
      tpu.enqueue_dma source(%dma_start3A_100 : memref<8x232xf32, #tpu.memory_space<hbm>>) target(%dma_start3A_98 : memref<8x232xf32, #tpu.memory_space<vmem>>) target_semaphore(%arg8 : memref<!tpu.dma_semaphore, #tpu.memory_space<semaphore_mem>>)
      %slice3A_101 = vector.extract_strided_slice %get3A_6 {offsets = [5], sizes = [1], strides = [1]} : vector<16xi32> to vector<1xi32>
      %squeeze3A_102 = vector.extract %slice3A_101[0] : i32 from vector<1xi32>
      %shift_right_arithmetic3A_103 = arith.constant 3 : i32
      %shift_right_arithmetic3A_104 = arith.shrsi %squeeze3A_102, %shift_right_arithmetic3A_103 : i32
      %shift_left3A_105 = arith.constant 3 : i32
      %shift_left3A_106 = arith.shli %shift_right_arithmetic3A_104, %shift_left3A_105 : i32
      %multiple_of3A_107 = tpu.assume_multiple %shift_left3A_106, 8 : i32
      %dma_start3A_108 = arith.constant 5 : i32
      %dma_start3A_109 = arith.constant 0 : i32
      %dma_start3A_110 = arith.constant 0 : i32
      %dma_start3A_111 = tpu.memref_slice %arg6[%dma_start3A_108, %dma_start3A_109, %dma_start3A_110] : memref<8x8x232xf32, #tpu.memory_space<vmem>> -> memref<1x8x232xf32, #tpu.memory_space<vmem>>
      %dma_start3A_112 = tpu.memref_squeeze %dma_start3A_111 : memref<1x8x232xf32, #tpu.memory_space<vmem>> -> memref<8x232xf32, #tpu.memory_space<vmem>>
      %dma_start3A_113 = arith.constant 0 : i32
      %dma_start3A_114 = tpu.memref_slice %arg3[%multiple_of3A_107, %dma_start3A_113] : memref<10000x232xf32, #tpu.memory_space<hbm>> -> memref<8x232xf32, #tpu.memory_space<hbm>>
      %dma_start3A_115 = arith.constant 0 : i32
      %dma_start3A_116 = arith.constant 0 : i32
      %dma_start3A_117 = tpu.memref_slice %arg6[%dma_start3A_108, %dma_start3A_115, %dma_start3A_116] : memref<8x8x232xf32, #tpu.memory_space<vmem>> -> memref<1x8x232xf32, #tpu.memory_space<vmem>>
      %dma_start3A_118 = tpu.memref_squeeze %dma_start3A_117 : memref<1x8x232xf32, #tpu.memory_space<vmem>> -> memref<8x232xf32, #tpu.memory_space<vmem>>
      %dma_start3A_119 = arith.constant 0 : i32
      %dma_start3A_120 = tpu.memref_slice %arg3[%multiple_of3A_107, %dma_start3A_119] : memref<10000x232xf32, #tpu.memory_space<hbm>> -> memref<8x232xf32, #tpu.memory_space<hbm>>
      tpu.enqueue_dma source(%dma_start3A_120 : memref<8x232xf32, #tpu.memory_space<hbm>>) target(%dma_start3A_118 : memref<8x232xf32, #tpu.memory_space<vmem>>) target_semaphore(%arg8 : memref<!tpu.dma_semaphore, #tpu.memory_space<semaphore_mem>>)
      %slice3A_121 = vector.extract_strided_slice %get3A_6 {offsets = [6], sizes = [1], strides = [1]} : vector<16xi32> to vector<1xi32>
      %squeeze3A_122 = vector.extract %slice3A_121[0] : i32 from vector<1xi32>
      %shift_right_arithmetic3A_123 = arith.constant 3 : i32
      %shift_right_arithmetic3A_124 = arith.shrsi %squeeze3A_122, %shift_right_arithmetic3A_123 : i32
      %shift_left3A_125 = arith.constant 3 : i32
      %shift_left3A_126 = arith.shli %shift_right_arithmetic3A_124, %shift_left3A_125 : i32
      %multiple_of3A_127 = tpu.assume_multiple %shift_left3A_126, 8 : i32
      %dma_start3A_128 = arith.constant 6 : i32
      %dma_start3A_129 = arith.constant 0 : i32
      %dma_start3A_130 = arith.constant 0 : i32
      %dma_start3A_131 = tpu.memref_slice %arg6[%dma_start3A_128, %dma_start3A_129, %dma_start3A_130] : memref<8x8x232xf32, #tpu.memory_space<vmem>> -> memref<1x8x232xf32, #tpu.memory_space<vmem>>
      %dma_start3A_132 = tpu.memref_squeeze %dma_start3A_131 : memref<1x8x232xf32, #tpu.memory_space<vmem>> -> memref<8x232xf32, #tpu.memory_space<vmem>>
      %dma_start3A_133 = arith.constant 0 : i32
      %dma_start3A_134 = tpu.memref_slice %arg3[%multiple_of3A_127, %dma_start3A_133] : memref<10000x232xf32, #tpu.memory_space<hbm>> -> memref<8x232xf32, #tpu.memory_space<hbm>>
      %dma_start3A_135 = arith.constant 0 : i32
      %dma_start3A_136 = arith.constant 0 : i32
      %dma_start3A_137 = tpu.memref_slice %arg6[%dma_start3A_128, %dma_start3A_135, %dma_start3A_136] : memref<8x8x232xf32, #tpu.memory_space<vmem>> -> memref<1x8x232xf32, #tpu.memory_space<vmem>>
      %dma_start3A_138 = tpu.memref_squeeze %dma_start3A_137 : memref<1x8x232xf32, #tpu.memory_space<vmem>> -> memref<8x232xf32, #tpu.memory_space<vmem>>
      %dma_start3A_139 = arith.constant 0 : i32
      %dma_start3A_140 = tpu.memref_slice %arg3[%multiple_of3A_127, %dma_start3A_139] : memref<10000x232xf32, #tpu.memory_space<hbm>> -> memref<8x232xf32, #tpu.memory_space<hbm>>
      tpu.enqueue_dma source(%dma_start3A_140 : memref<8x232xf32, #tpu.memory_space<hbm>>) target(%dma_start3A_138 : memref<8x232xf32, #tpu.memory_space<vmem>>) target_semaphore(%arg8 : memref<!tpu.dma_semaphore, #tpu.memory_space<semaphore_mem>>)
      %slice3A_141 = vector.extract_strided_slice %get3A_6 {offsets = [7], sizes = [1], strides = [1]} : vector<16xi32> to vector<1xi32>
      %squeeze3A_142 = vector.extract %slice3A_141[0] : i32 from vector<1xi32>
      %shift_right_arithmetic3A_143 = arith.constant 3 : i32
      %shift_right_arithmetic3A_144 = arith.shrsi %squeeze3A_142, %shift_right_arithmetic3A_143 : i32
      %shift_left3A_145 = arith.constant 3 : i32
      %shift_left3A_146 = arith.shli %shift_right_arithmetic3A_144, %shift_left3A_145 : i32
      %multiple_of3A_147 = tpu.assume_multiple %shift_left3A_146, 8 : i32
      %dma_start3A_148 = arith.constant 7 : i32
      %dma_start3A_149 = arith.constant 0 : i32
      %dma_start3A_150 = arith.constant 0 : i32
      %dma_start3A_151 = tpu.memref_slice %arg6[%dma_start3A_148, %dma_start3A_149, %dma_start3A_150] : memref<8x8x232xf32, #tpu.memory_space<vmem>> -> memref<1x8x232xf32, #tpu.memory_space<vmem>>
      %dma_start3A_152 = tpu.memref_squeeze %dma_start3A_151 : memref<1x8x232xf32, #tpu.memory_space<vmem>> -> memref<8x232xf32, #tpu.memory_space<vmem>>
      %dma_start3A_153 = arith.constant 0 : i32
      %dma_start3A_154 = tpu.memref_slice %arg3[%multiple_of3A_147, %dma_start3A_153] : memref<10000x232xf32, #tpu.memory_space<hbm>> -> memref<8x232xf32, #tpu.memory_space<hbm>>
      %dma_start3A_155 = arith.constant 0 : i32
      %dma_start3A_156 = arith.constant 0 : i32
      %dma_start3A_157 = tpu.memref_slice %arg6[%dma_start3A_148, %dma_start3A_155, %dma_start3A_156] : memref<8x8x232xf32, #tpu.memory_space<vmem>> -> memref<1x8x232xf32, #tpu.memory_space<vmem>>
      %dma_start3A_158 = tpu.memref_squeeze %dma_start3A_157 : memref<1x8x232xf32, #tpu.memory_space<vmem>> -> memref<8x232xf32, #tpu.memory_space<vmem>>
      %dma_start3A_159 = arith.constant 0 : i32
      %dma_start3A_160 = tpu.memref_slice %arg3[%multiple_of3A_147, %dma_start3A_159] : memref<10000x232xf32, #tpu.memory_space<hbm>> -> memref<8x232xf32, #tpu.memory_space<hbm>>
      tpu.enqueue_dma source(%dma_start3A_160 : memref<8x232xf32, #tpu.memory_space<hbm>>) target(%dma_start3A_158 : memref<8x232xf32, #tpu.memory_space<vmem>>) target_semaphore(%arg8 : memref<!tpu.dma_semaphore, #tpu.memory_space<semaphore_mem>>)
      %dma_wait3A = arith.constant 0 : i32
      %dma_wait3A_161 = arith.constant 0 : i32
      %dma_wait3A_162 = arith.constant 0 : i32
      %dma_wait3A_163 = tpu.memref_slice %arg6[%dma_wait3A, %dma_wait3A_161, %dma_wait3A_162] : memref<8x8x232xf32, #tpu.memory_space<vmem>> -> memref<1x8x232xf32, #tpu.memory_space<vmem>>
      %dma_wait3A_164 = tpu.memref_squeeze %dma_wait3A_163 : memref<1x8x232xf32, #tpu.memory_space<vmem>> -> memref<8x232xf32, #tpu.memory_space<vmem>>
      %dma_wait3A_165 = arith.constant 0 : i32
      %dma_wait3A_166 = arith.constant 0 : i32
      %dma_wait3A_167 = tpu.memref_slice %arg3[%dma_wait3A_165, %dma_wait3A_166] : memref<10000x232xf32, #tpu.memory_space<hbm>> -> memref<8x232xf32, #tpu.memory_space<hbm>>
      %dma_wait3A_168 = arith.constant 0 : i32
      %dma_wait3A_169 = arith.constant 0 : i32
      %dma_wait3A_170 = tpu.memref_slice %arg6[%dma_wait3A, %dma_wait3A_168, %dma_wait3A_169] : memref<8x8x232xf32, #tpu.memory_space<vmem>> -> memref<1x8x232xf32, #tpu.memory_space<vmem>>
      %dma_wait3A_171 = tpu.memref_squeeze %dma_wait3A_170 : memref<1x8x232xf32, #tpu.memory_space<vmem>> -> memref<8x232xf32, #tpu.memory_space<vmem>>
      %dma_wait3A_172 = arith.constant 0 : i32
      %dma_wait3A_173 = arith.constant 0 : i32
      %dma_wait3A_174 = tpu.memref_slice %arg3[%dma_wait3A_172, %dma_wait3A_173] : memref<10000x232xf32, #tpu.memory_space<hbm>> -> memref<8x232xf32, #tpu.memory_space<hbm>>
      tpu.wait_dma2 semaphore(%arg8 : memref<!tpu.dma_semaphore, #tpu.memory_space<semaphore_mem>>) src(%dma_wait3A_174 : memref<8x232xf32, #tpu.memory_space<hbm>>) dst(%dma_wait3A_171 : memref<8x232xf32, #tpu.memory_space<vmem>>)
      %dma_wait3A_175 = arith.constant 1 : i32
      %dma_wait3A_176 = arith.constant 0 : i32
      %dma_wait3A_177 = arith.constant 0 : i32
      %dma_wait3A_178 = tpu.memref_slice %arg6[%dma_wait3A_175, %dma_wait3A_176, %dma_wait3A_177] : memref<8x8x232xf32, #tpu.memory_space<vmem>> -> memref<1x8x232xf32, #tpu.memory_space<vmem>>
      %dma_wait3A_179 = tpu.memref_squeeze %dma_wait3A_178 : memref<1x8x232xf32, #tpu.memory_space<vmem>> -> memref<8x232xf32, #tpu.memory_space<vmem>>
      %dma_wait3A_180 = arith.constant 0 : i32
      %dma_wait3A_181 = arith.constant 0 : i32
      %dma_wait3A_182 = tpu.memref_slice %arg3[%dma_wait3A_180, %dma_wait3A_181] : memref<10000x232xf32, #tpu.memory_space<hbm>> -> memref<8x232xf32, #tpu.memory_space<hbm>>
      %dma_wait3A_183 = arith.constant 0 : i32
      %dma_wait3A_184 = arith.constant 0 : i32
      %dma_wait3A_185 = tpu.memref_slice %arg6[%dma_wait3A_175, %dma_wait3A_183, %dma_wait3A_184] : memref<8x8x232xf32, #tpu.memory_space<vmem>> -> memref<1x8x232xf32, #tpu.memory_space<vmem>>
      %dma_wait3A_186 = tpu.memref_squeeze %dma_wait3A_185 : memref<1x8x232xf32, #tpu.memory_space<vmem>> -> memref<8x232xf32, #tpu.memory_space<vmem>>
      %dma_wait3A_187 = arith.constant 0 : i32
      %dma_wait3A_188 = arith.constant 0 : i32
      %dma_wait3A_189 = tpu.memref_slice %arg3[%dma_wait3A_187, %dma_wait3A_188] : memref<10000x232xf32, #tpu.memory_space<hbm>> -> memref<8x232xf32, #tpu.memory_space<hbm>>
      tpu.wait_dma2 semaphore(%arg8 : memref<!tpu.dma_semaphore, #tpu.memory_space<semaphore_mem>>) src(%dma_wait3A_189 : memref<8x232xf32, #tpu.memory_space<hbm>>) dst(%dma_wait3A_186 : memref<8x232xf32, #tpu.memory_space<vmem>>)
      %dma_wait3A_190 = arith.constant 2 : i32
      %dma_wait3A_191 = arith.constant 0 : i32
      %dma_wait3A_192 = arith.constant 0 : i32
      %dma_wait3A_193 = tpu.memref_slice %arg6[%dma_wait3A_190, %dma_wait3A_191, %dma_wait3A_192] : memref<8x8x232xf32, #tpu.memory_space<vmem>> -> memref<1x8x232xf32, #tpu.memory_space<vmem>>
      %dma_wait3A_194 = tpu.memref_squeeze %dma_wait3A_193 : memref<1x8x232xf32, #tpu.memory_space<vmem>> -> memref<8x232xf32, #tpu.memory_space<vmem>>
      %dma_wait3A_195 = arith.constant 0 : i32
      %dma_wait3A_196 = arith.constant 0 : i32
      %dma_wait3A_197 = tpu.memref_slice %arg3[%dma_wait3A_195, %dma_wait3A_196] : memref<10000x232xf32, #tpu.memory_space<hbm>> -> memref<8x232xf32, #tpu.memory_space<hbm>>
      %dma_wait3A_198 = arith.constant 0 : i32
      %dma_wait3A_199 = arith.constant 0 : i32
      %dma_wait3A_200 = tpu.memref_slice %arg6[%dma_wait3A_190, %dma_wait3A_198, %dma_wait3A_199] : memref<8x8x232xf32, #tpu.memory_space<vmem>> -> memref<1x8x232xf32, #tpu.memory_space<vmem>>
      %dma_wait3A_201 = tpu.memref_squeeze %dma_wait3A_200 : memref<1x8x232xf32, #tpu.memory_space<vmem>> -> memref<8x232xf32, #tpu.memory_space<vmem>>
      %dma_wait3A_202 = arith.constant 0 : i32
      %dma_wait3A_203 = arith.constant 0 : i32
      %dma_wait3A_204 = tpu.memref_slice %arg3[%dma_wait3A_202, %dma_wait3A_203] : memref<10000x232xf32, #tpu.memory_space<hbm>> -> memref<8x232xf32, #tpu.memory_space<hbm>>
      tpu.wait_dma2 semaphore(%arg8 : memref<!tpu.dma_semaphore, #tpu.memory_space<semaphore_mem>>) src(%dma_wait3A_204 : memref<8x232xf32, #tpu.memory_space<hbm>>) dst(%dma_wait3A_201 : memref<8x232xf32, #tpu.memory_space<vmem>>)
      %dma_wait3A_205 = arith.constant 3 : i32
      %dma_wait3A_206 = arith.constant 0 : i32
      %dma_wait3A_207 = arith.constant 0 : i32
      %dma_wait3A_208 = tpu.memref_slice %arg6[%dma_wait3A_205, %dma_wait3A_206, %dma_wait3A_207] : memref<8x8x232xf32, #tpu.memory_space<vmem>> -> memref<1x8x232xf32, #tpu.memory_space<vmem>>
      %dma_wait3A_209 = tpu.memref_squeeze %dma_wait3A_208 : memref<1x8x232xf32, #tpu.memory_space<vmem>> -> memref<8x232xf32, #tpu.memory_space<vmem>>
      %dma_wait3A_210 = arith.constant 0 : i32
      %dma_wait3A_211 = arith.constant 0 : i32
      %dma_wait3A_212 = tpu.memref_slice %arg3[%dma_wait3A_210, %dma_wait3A_211] : memref<10000x232xf32, #tpu.memory_space<hbm>> -> memref<8x232xf32, #tpu.memory_space<hbm>>
      %dma_wait3A_213 = arith.constant 0 : i32
      %dma_wait3A_214 = arith.constant 0 : i32
      %dma_wait3A_215 = tpu.memref_slice %arg6[%dma_wait3A_205, %dma_wait3A_213, %dma_wait3A_214] : memref<8x8x232xf32, #tpu.memory_space<vmem>> -> memref<1x8x232xf32, #tpu.memory_space<vmem>>
      %dma_wait3A_216 = tpu.memref_squeeze %dma_wait3A_215 : memref<1x8x232xf32, #tpu.memory_space<vmem>> -> memref<8x232xf32, #tpu.memory_space<vmem>>
      %dma_wait3A_217 = arith.constant 0 : i32
      %dma_wait3A_218 = arith.constant 0 : i32
      %dma_wait3A_219 = tpu.memref_slice %arg3[%dma_wait3A_217, %dma_wait3A_218] : memref<10000x232xf32, #tpu.memory_space<hbm>> -> memref<8x232xf32, #tpu.memory_space<hbm>>
      tpu.wait_dma2 semaphore(%arg8 : memref<!tpu.dma_semaphore, #tpu.memory_space<semaphore_mem>>) src(%dma_wait3A_219 : memref<8x232xf32, #tpu.memory_space<hbm>>) dst(%dma_wait3A_216 : memref<8x232xf32, #tpu.memory_space<vmem>>)
      %dma_wait3A_220 = arith.constant 4 : i32
      %dma_wait3A_221 = arith.constant 0 : i32
      %dma_wait3A_222 = arith.constant 0 : i32
      %dma_wait3A_223 = tpu.memref_slice %arg6[%dma_wait3A_220, %dma_wait3A_221, %dma_wait3A_222] : memref<8x8x232xf32, #tpu.memory_space<vmem>> -> memref<1x8x232xf32, #tpu.memory_space<vmem>>
      %dma_wait3A_224 = tpu.memref_squeeze %dma_wait3A_223 : memref<1x8x232xf32, #tpu.memory_space<vmem>> -> memref<8x232xf32, #tpu.memory_space<vmem>>
      %dma_wait3A_225 = arith.constant 0 : i32
      %dma_wait3A_226 = arith.constant 0 : i32
      %dma_wait3A_227 = tpu.memref_slice %arg3[%dma_wait3A_225, %dma_wait3A_226] : memref<10000x232xf32, #tpu.memory_space<hbm>> -> memref<8x232xf32, #tpu.memory_space<hbm>>
      %dma_wait3A_228 = arith.constant 0 : i32
      %dma_wait3A_229 = arith.constant 0 : i32
      %dma_wait3A_230 = tpu.memref_slice %arg6[%dma_wait3A_220, %dma_wait3A_228, %dma_wait3A_229] : memref<8x8x232xf32, #tpu.memory_space<vmem>> -> memref<1x8x232xf32, #tpu.memory_space<vmem>>
      %dma_wait3A_231 = tpu.memref_squeeze %dma_wait3A_230 : memref<1x8x232xf32, #tpu.memory_space<vmem>> -> memref<8x232xf32, #tpu.memory_space<vmem>>
      %dma_wait3A_232 = arith.constant 0 : i32
      %dma_wait3A_233 = arith.constant 0 : i32
      %dma_wait3A_234 = tpu.memref_slice %arg3[%dma_wait3A_232, %dma_wait3A_233] : memref<10000x232xf32, #tpu.memory_space<hbm>> -> memref<8x232xf32, #tpu.memory_space<hbm>>
      tpu.wait_dma2 semaphore(%arg8 : memref<!tpu.dma_semaphore, #tpu.memory_space<semaphore_mem>>) src(%dma_wait3A_234 : memref<8x232xf32, #tpu.memory_space<hbm>>) dst(%dma_wait3A_231 : memref<8x232xf32, #tpu.memory_space<vmem>>)
      %dma_wait3A_235 = arith.constant 5 : i32
      %dma_wait3A_236 = arith.constant 0 : i32
      %dma_wait3A_237 = arith.constant 0 : i32
      %dma_wait3A_238 = tpu.memref_slice %arg6[%dma_wait3A_235, %dma_wait3A_236, %dma_wait3A_237] : memref<8x8x232xf32, #tpu.memory_space<vmem>> -> memref<1x8x232xf32, #tpu.memory_space<vmem>>
      %dma_wait3A_239 = tpu.memref_squeeze %dma_wait3A_238 : memref<1x8x232xf32, #tpu.memory_space<vmem>> -> memref<8x232xf32, #tpu.memory_space<vmem>>
      %dma_wait3A_240 = arith.constant 0 : i32
      %dma_wait3A_241 = arith.constant 0 : i32
      %dma_wait3A_242 = tpu.memref_slice %arg3[%dma_wait3A_240, %dma_wait3A_241] : memref<10000x232xf32, #tpu.memory_space<hbm>> -> memref<8x232xf32, #tpu.memory_space<hbm>>
      %dma_wait3A_243 = arith.constant 0 : i32
      %dma_wait3A_244 = arith.constant 0 : i32
      %dma_wait3A_245 = tpu.memref_slice %arg6[%dma_wait3A_235, %dma_wait3A_243, %dma_wait3A_244] : memref<8x8x232xf32, #tpu.memory_space<vmem>> -> memref<1x8x232xf32, #tpu.memory_space<vmem>>
      %dma_wait3A_246 = tpu.memref_squeeze %dma_wait3A_245 : memref<1x8x232xf32, #tpu.memory_space<vmem>> -> memref<8x232xf32, #tpu.memory_space<vmem>>
      %dma_wait3A_247 = arith.constant 0 : i32
      %dma_wait3A_248 = arith.constant 0 : i32
      %dma_wait3A_249 = tpu.memref_slice %arg3[%dma_wait3A_247, %dma_wait3A_248] : memref<10000x232xf32, #tpu.memory_space<hbm>> -> memref<8x232xf32, #tpu.memory_space<hbm>>
      tpu.wait_dma2 semaphore(%arg8 : memref<!tpu.dma_semaphore, #tpu.memory_space<semaphore_mem>>) src(%dma_wait3A_249 : memref<8x232xf32, #tpu.memory_space<hbm>>) dst(%dma_wait3A_246 : memref<8x232xf32, #tpu.memory_space<vmem>>)
      %dma_wait3A_250 = arith.constant 6 : i32
      %dma_wait3A_251 = arith.constant 0 : i32
      %dma_wait3A_252 = arith.constant 0 : i32
      %dma_wait3A_253 = tpu.memref_slice %arg6[%dma_wait3A_250, %dma_wait3A_251, %dma_wait3A_252] : memref<8x8x232xf32, #tpu.memory_space<vmem>> -> memref<1x8x232xf32, #tpu.memory_space<vmem>>
      %dma_wait3A_254 = tpu.memref_squeeze %dma_wait3A_253 : memref<1x8x232xf32, #tpu.memory_space<vmem>> -> memref<8x232xf32, #tpu.memory_space<vmem>>
      %dma_wait3A_255 = arith.constant 0 : i32
      %dma_wait3A_256 = arith.constant 0 : i32
      %dma_wait3A_257 = tpu.memref_slice %arg3[%dma_wait3A_255, %dma_wait3A_256] : memref<10000x232xf32, #tpu.memory_space<hbm>> -> memref<8x232xf32, #tpu.memory_space<hbm>>
      %dma_wait3A_258 = arith.constant 0 : i32
      %dma_wait3A_259 = arith.constant 0 : i32
      %dma_wait3A_260 = tpu.memref_slice %arg6[%dma_wait3A_250, %dma_wait3A_258, %dma_wait3A_259] : memref<8x8x232xf32, #tpu.memory_space<vmem>> -> memref<1x8x232xf32, #tpu.memory_space<vmem>>
      %dma_wait3A_261 = tpu.memref_squeeze %dma_wait3A_260 : memref<1x8x232xf32, #tpu.memory_space<vmem>> -> memref<8x232xf32, #tpu.memory_space<vmem>>
      %dma_wait3A_262 = arith.constant 0 : i32
      %dma_wait3A_263 = arith.constant 0 : i32
      %dma_wait3A_264 = tpu.memref_slice %arg3[%dma_wait3A_262, %dma_wait3A_263] : memref<10000x232xf32, #tpu.memory_space<hbm>> -> memref<8x232xf32, #tpu.memory_space<hbm>>
      tpu.wait_dma2 semaphore(%arg8 : memref<!tpu.dma_semaphore, #tpu.memory_space<semaphore_mem>>) src(%dma_wait3A_264 : memref<8x232xf32, #tpu.memory_space<hbm>>) dst(%dma_wait3A_261 : memref<8x232xf32, #tpu.memory_space<vmem>>)
      %dma_wait3A_265 = arith.constant 7 : i32
      %dma_wait3A_266 = arith.constant 0 : i32
      %dma_wait3A_267 = arith.constant 0 : i32
      %dma_wait3A_268 = tpu.memref_slice %arg6[%dma_wait3A_265, %dma_wait3A_266, %dma_wait3A_267] : memref<8x8x232xf32, #tpu.memory_space<vmem>> -> memref<1x8x232xf32, #tpu.memory_space<vmem>>
      %dma_wait3A_269 = tpu.memref_squeeze %dma_wait3A_268 : memref<1x8x232xf32, #tpu.memory_space<vmem>> -> memref<8x232xf32, #tpu.memory_space<vmem>>
      %dma_wait3A_270 = arith.constant 0 : i32
      %dma_wait3A_271 = arith.constant 0 : i32
      %dma_wait3A_272 = tpu.memref_slice %arg3[%dma_wait3A_270, %dma_wait3A_271] : memref<10000x232xf32, #tpu.memory_space<hbm>> -> memref<8x232xf32, #tpu.memory_space<hbm>>
      %dma_wait3A_273 = arith.constant 0 : i32
      %dma_wait3A_274 = arith.constant 0 : i32
      %dma_wait3A_275 = tpu.memref_slice %arg6[%dma_wait3A_265, %dma_wait3A_273, %dma_wait3A_274] : memref<8x8x232xf32, #tpu.memory_space<vmem>> -> memref<1x8x232xf32, #tpu.memory_space<vmem>>
      %dma_wait3A_276 = tpu.memref_squeeze %dma_wait3A_275 : memref<1x8x232xf32, #tpu.memory_space<vmem>> -> memref<8x232xf32, #tpu.memory_space<vmem>>
      %dma_wait3A_277 = arith.constant 0 : i32
      %dma_wait3A_278 = arith.constant 0 : i32
      %dma_wait3A_279 = tpu.memref_slice %arg3[%dma_wait3A_277, %dma_wait3A_278] : memref<10000x232xf32, #tpu.memory_space<hbm>> -> memref<8x232xf32, #tpu.memory_space<hbm>>
      tpu.wait_dma2 semaphore(%arg8 : memref<!tpu.dma_semaphore, #tpu.memory_space<semaphore_mem>>) src(%dma_wait3A_279 : memref<8x232xf32, #tpu.memory_space<hbm>>) dst(%dma_wait3A_276 : memref<8x232xf32, #tpu.memory_space<vmem>>)
      %slice3A_280 = vector.extract_strided_slice %get3A_6 {offsets = [0], sizes = [1], strides = [1]} : vector<16xi32> to vector<1xi32>
      %squeeze3A_281 = vector.extract %slice3A_280[0] : i32 from vector<1xi32>
      %and3A = arith.constant 7 : i32
      %and3A_282 = arith.andi %squeeze3A_281, %and3A : i32
      %get3A_283 = arith.constant 0 : i32
      %get3A_284 = arith.index_cast %get3A_283 : i32 to index
      %get3A_285 = arith.index_cast %and3A_282 : i32 to index
      %get3A_286 = arith.constant 0 : index
      %get3A_287 = tpu.vector_load %arg6[%get3A_284, %get3A_285, %get3A_286] {strides = array<i32>} : memref<8x8x232xf32, #tpu.memory_space<vmem>>, vector<1x1x16xf32>,
      %get3A_288 = vector.shape_cast %get3A_287 : vector<1x1x16xf32> to vector<16xf32>
      %swap3A = arith.constant 0 : i32
      %swap3A_289 = arith.index_cast %swap3A : i32 to index
      %swap3A_290 = arith.constant 0 : index
      %swap3A_291 = tpu.vector_load %arg7[%swap3A_289, %swap3A_290] {strides = array<i32>} : memref<8x232xf32, #tpu.memory_space<vmem>>, vector<1x16xf32>,
      %swap3A_292 = vector.shape_cast %swap3A_291 : vector<1x16xf32> to vector<16xf32>
      %swap3A_293 = vector.shape_cast %get3A_288 : vector<16xf32> to vector<1x16xf32>
      tpu.vector_store %arg7[%swap3A_289, %swap3A_290], %swap3A_293 {strides = array<i32>} : memref<8x232xf32, #tpu.memory_space<vmem>>, vector<1x16xf32>,
      %get3A_294 = arith.constant 0 : i32
      %get3A_295 = arith.index_cast %get3A_294 : i32 to index
      %get3A_296 = arith.index_cast %and3A_282 : i32 to index
      %get3A_297 = arith.constant 16 : index
      %get3A_298 = tpu.vector_load %arg6[%get3A_295, %get3A_296, %get3A_297] {strides = array<i32>} : memref<8x8x232xf32, #tpu.memory_space<vmem>>, vector<1x1x16xf32>,
      %get3A_299 = vector.shape_cast %get3A_298 : vector<1x1x16xf32> to vector<16xf32>
      %swap3A_300 = arith.constant 0 : i32
      %swap3A_301 = arith.index_cast %swap3A_300 : i32 to index
      %swap3A_302 = arith.constant 16 : index
      %swap3A_303 = tpu.vector_load %arg7[%swap3A_301, %swap3A_302] {strides = array<i32>} : memref<8x232xf32, #tpu.memory_space<vmem>>, vector<1x16xf32>,
      %swap3A_304 = vector.shape_cast %swap3A_303 : vector<1x16xf32> to vector<16xf32>
      %swap3A_305 = vector.shape_cast %get3A_299 : vector<16xf32> to vector<1x16xf32>
      tpu.vector_store %arg7[%swap3A_301, %swap3A_302], %swap3A_305 {strides = array<i32>} : memref<8x232xf32, #tpu.memory_space<vmem>>, vector<1x16xf32>,
      %get3A_306 = arith.constant 0 : i32
      %get3A_307 = arith.index_cast %get3A_306 : i32 to index
      %get3A_308 = arith.index_cast %and3A_282 : i32 to index
      %get3A_309 = arith.constant 32 : index
      %get3A_310 = tpu.vector_load %arg6[%get3A_307, %get3A_308, %get3A_309] {strides = array<i32>} : memref<8x8x232xf32, #tpu.memory_space<vmem>>, vector<1x1x16xf32>,
      %get3A_311 = vector.shape_cast %get3A_310 : vector<1x1x16xf32> to vector<16xf32>
      %swap3A_312 = arith.constant 0 : i32
      %swap3A_313 = arith.index_cast %swap3A_312 : i32 to index
      %swap3A_314 = arith.constant 32 : index
      %swap3A_315 = tpu.vector_load %arg7[%swap3A_313, %swap3A_314] {strides = array<i32>} : memref<8x232xf32, #tpu.memory_space<vmem>>, vector<1x16xf32>,
      %swap3A_316 = vector.shape_cast %swap3A_315 : vector<1x16xf32> to vector<16xf32>
      %swap3A_317 = vector.shape_cast %get3A_311 : vector<16xf32> to vector<1x16xf32>
      tpu.vector_store %arg7[%swap3A_313, %swap3A_314], %swap3A_317 {strides = array<i32>} : memref<8x232xf32, #tpu.memory_space<vmem>>, vector<1x16xf32>,
      %get3A_318 = arith.constant 0 : i32
      %get3A_319 = arith.index_cast %get3A_318 : i32 to index
      %get3A_320 = arith.index_cast %and3A_282 : i32 to index
      %get3A_321 = arith.constant 48 : index
      %get3A_322 = tpu.vector_load %arg6[%get3A_319, %get3A_320, %get3A_321] {strides = array<i32>} : memref<8x8x232xf32, #tpu.memory_space<vmem>>, vector<1x1x16xf32>,
      %get3A_323 = vector.shape_cast %get3A_322 : vector<1x1x16xf32> to vector<16xf32>
      %swap3A_324 = arith.constant 0 : i32
      %swap3A_325 = arith.index_cast %swap3A_324 : i32 to index
      %swap3A_326 = arith.constant 48 : index
      %swap3A_327 = tpu.vector_load %arg7[%swap3A_325, %swap3A_326] {strides = array<i32>} : memref<8x232xf32, #tpu.memory_space<vmem>>, vector<1x16xf32>,
      %swap3A_328 = vector.shape_cast %swap3A_327 : vector<1x16xf32> to vector<16xf32>
      %swap3A_329 = vector.shape_cast %get3A_323 : vector<16xf32> to vector<1x16xf32>
      tpu.vector_store %arg7[%swap3A_325, %swap3A_326], %swap3A_329 {strides = array<i32>} : memref<8x232xf32, #tpu.memory_space<vmem>>, vector<1x16xf32>,
      %get3A_330 = arith.constant 0 : i32
      %get3A_331 = arith.index_cast %get3A_330 : i32 to index
      %get3A_332 = arith.index_cast %and3A_282 : i32 to index
      %get3A_333 = arith.constant 64 : index
      %get3A_334 = tpu.vector_load %arg6[%get3A_331, %get3A_332, %get3A_333] {strides = array<i32>} : memref<8x8x232xf32, #tpu.memory_space<vmem>>, vector<1x1x16xf32>,
      %get3A_335 = vector.shape_cast %get3A_334 : vector<1x1x16xf32> to vector<16xf32>
      %swap3A_336 = arith.constant 0 : i32
      %swap3A_337 = arith.index_cast %swap3A_336 : i32 to index
      %swap3A_338 = arith.constant 64 : index
      %swap3A_339 = tpu.vector_load %arg7[%swap3A_337, %swap3A_338] {strides = array<i32>} : memref<8x232xf32, #tpu.memory_space<vmem>>, vector<1x16xf32>,
      %swap3A_340 = vector.shape_cast %swap3A_339 : vector<1x16xf32> to vector<16xf32>
      %swap3A_341 = vector.shape_cast %get3A_335 : vector<16xf32> to vector<1x16xf32>
      tpu.vector_store %arg7[%swap3A_337, %swap3A_338], %swap3A_341 {strides = array<i32>} : memref<8x232xf32, #tpu.memory_space<vmem>>, vector<1x16xf32>,
      %get3A_342 = arith.constant 0 : i32
      %get3A_343 = arith.index_cast %get3A_342 : i32 to index
      %get3A_344 = arith.index_cast %and3A_282 : i32 to index
      %get3A_345 = arith.constant 80 : index
      %get3A_346 = tpu.vector_load %arg6[%get3A_343, %get3A_344, %get3A_345] {strides = array<i32>} : memref<8x8x232xf32, #tpu.memory_space<vmem>>, vector<1x1x16xf32>,
      %get3A_347 = vector.shape_cast %get3A_346 : vector<1x1x16xf32> to vector<16xf32>
      %swap3A_348 = arith.constant 0 : i32
      %swap3A_349 = arith.index_cast %swap3A_348 : i32 to index
      %swap3A_350 = arith.constant 80 : index
      %swap3A_351 = tpu.vector_load %arg7[%swap3A_349, %swap3A_350] {strides = array<i32>} : memref<8x232xf32, #tpu.memory_space<vmem>>, vector<1x16xf32>,
      %swap3A_352 = vector.shape_cast %swap3A_351 : vector<1x16xf32> to vector<16xf32>
      %swap3A_353 = vector.shape_cast %get3A_347 : vector<16xf32> to vector<1x16xf32>
      tpu.vector_store %arg7[%swap3A_349, %swap3A_350], %swap3A_353 {strides = array<i32>} : memref<8x232xf32, #tpu.memory_space<vmem>>, vector<1x16xf32>,
      %get3A_354 = arith.constant 0 : i32
      %get3A_355 = arith.index_cast %get3A_354 : i32 to index
      %get3A_356 = arith.index_cast %and3A_282 : i32 to index
      %get3A_357 = arith.constant 96 : index
      %get3A_358 = tpu.vector_load %arg6[%get3A_355, %get3A_356, %get3A_357] {strides = array<i32>} : memref<8x8x232xf32, #tpu.memory_space<vmem>>, vector<1x1x16xf32>,
      %get3A_359 = vector.shape_cast %get3A_358 : vector<1x1x16xf32> to vector<16xf32>
      %swap3A_360 = arith.constant 0 : i32
      %swap3A_361 = arith.index_cast %swap3A_360 : i32 to index
      %swap3A_362 = arith.constant 96 : index
      %swap3A_363 = tpu.vector_load %arg7[%swap3A_361, %swap3A_362] {strides = array<i32>} : memref<8x232xf32, #tpu.memory_space<vmem>>, vector<1x16xf32>,
      %swap3A_364 = vector.shape_cast %swap3A_363 : vector<1x16xf32> to vector<16xf32>
      %swap3A_365 = vector.shape_cast %get3A_359 : vector<16xf32> to vector<1x16xf32>
      tpu.vector_store %arg7[%swap3A_361, %swap3A_362], %swap3A_365 {strides = array<i32>} : memref<8x232xf32, #tpu.memory_space<vmem>>, vector<1x16xf32>,
      %get3A_366 = arith.constant 0 : i32
      %get3A_367 = arith.index_cast %get3A_366 : i32 to index
      %get3A_368 = arith.index_cast %and3A_282 : i32 to index
      %get3A_369 = arith.constant 112 : index
      %get3A_370 = tpu.vector_load %arg6[%get3A_367, %get3A_368, %get3A_369] {strides = array<i32>} : memref<8x8x232xf32, #tpu.memory_space<vmem>>, vector<1x1x16xf32>,
      %get3A_371 = vector.shape_cast %get3A_370 : vector<1x1x16xf32> to vector<16xf32>
      %swap3A_372 = arith.constant 0 : i32
      %swap3A_373 = arith.index_cast %swap3A_372 : i32 to index
      %swap3A_374 = arith.constant 112 : index
      %swap3A_375 = tpu.vector_load %arg7[%swap3A_373, %swap3A_374] {strides = array<i32>} : memref<8x232xf32, #tpu.memory_space<vmem>>, vector<1x16xf32>,
      %swap3A_376 = vector.shape_cast %swap3A_375 : vector<1x16xf32> to vector<16xf32>
      %swap3A_377 = vector.shape_cast %get3A_371 : vector<16xf32> to vector<1x16xf32>
      tpu.vector_store %arg7[%swap3A_373, %swap3A_374], %swap3A_377 {strides = array<i32>} : memref<8x232xf32, #tpu.memory_space<vmem>>, vector<1x16xf32>,
      %get3A_378 = arith.constant 0 : i32
      %get3A_379 = arith.index_cast %get3A_378 : i32 to index
      %get3A_380 = arith.index_cast %and3A_282 : i32 to index
      %get3A_381 = arith.constant 128 : index
      %get3A_382 = tpu.vector_load %arg6[%get3A_379, %get3A_380, %get3A_381] {strides = array<i32>} : memref<8x8x232xf32, #tpu.memory_space<vmem>>, vector<1x1x16xf32>,
      %get3A_383 = vector.shape_cast %get3A_382 : vector<1x1x16xf32> to vector<16xf32>
      %swap3A_384 = arith.constant 0 : i32
      %swap3A_385 = arith.index_cast %swap3A_384 : i32 to index
      %swap3A_386 = arith.constant 128 : index
      %swap3A_387 = tpu.vector_load %arg7[%swap3A_385, %swap3A_386] {strides = array<i32>} : memref<8x232xf32, #tpu.memory_space<vmem>>, vector<1x16xf32>,
      %swap3A_388 = vector.shape_cast %swap3A_387 : vector<1x16xf32> to vector<16xf32>
      %swap3A_389 = vector.shape_cast %get3A_383 : vector<16xf32> to vector<1x16xf32>
      tpu.vector_store %arg7[%swap3A_385, %swap3A_386], %swap3A_389 {strides = array<i32>} : memref<8x232xf32, #tpu.memory_space<vmem>>, vector<1x16xf32>,
      %get3A_390 = arith.constant 0 : i32
      %get3A_391 = arith.index_cast %get3A_390 : i32 to index
      %get3A_392 = arith.index_cast %and3A_282 : i32 to index
      %get3A_393 = arith.constant 144 : index
      %get3A_394 = tpu.vector_load %arg6[%get3A_391, %get3A_392, %get3A_393] {strides = array<i32>} : memref<8x8x232xf32, #tpu.memory_space<vmem>>, vector<1x1x16xf32>,
      %get3A_395 = vector.shape_cast %get3A_394 : vector<1x1x16xf32> to vector<16xf32>
      %swap3A_396 = arith.constant 0 : i32
      %swap3A_397 = arith.index_cast %swap3A_396 : i32 to index
      %swap3A_398 = arith.constant 144 : index
      %swap3A_399 = tpu.vector_load %arg7[%swap3A_397, %swap3A_398] {strides = array<i32>} : memref<8x232xf32, #tpu.memory_space<vmem>>, vector<1x16xf32>,
      %swap3A_400 = vector.shape_cast %swap3A_399 : vector<1x16xf32> to vector<16xf32>
      %swap3A_401 = vector.shape_cast %get3A_395 : vector<16xf32> to vector<1x16xf32>
      tpu.vector_store %arg7[%swap3A_397, %swap3A_398], %swap3A_401 {strides = array<i32>} : memref<8x232xf32, #tpu.memory_space<vmem>>, vector<1x16xf32>,
      %get3A_402 = arith.constant 0 : i32
      %get3A_403 = arith.index_cast %get3A_402 : i32 to index
      %get3A_404 = arith.index_cast %and3A_282 : i32 to index
      %get3A_405 = arith.constant 160 : index
      %get3A_406 = tpu.vector_load %arg6[%get3A_403, %get3A_404, %get3A_405] {strides = array<i32>} : memref<8x8x232xf32, #tpu.memory_space<vmem>>, vector<1x1x16xf32>,
      %get3A_407 = vector.shape_cast %get3A_406 : vector<1x1x16xf32> to vector<16xf32>
      %swap3A_408 = arith.constant 0 : i32
      %swap3A_409 = arith.index_cast %swap3A_408 : i32 to index
      %swap3A_410 = arith.constant 160 : index
      %swap3A_411 = tpu.vector_load %arg7[%swap3A_409, %swap3A_410] {strides = array<i32>} : memref<8x232xf32, #tpu.memory_space<vmem>>, vector<1x16xf32>,
      %swap3A_412 = vector.shape_cast %swap3A_411 : vector<1x16xf32> to vector<16xf32>
      %swap3A_413 = vector.shape_cast %get3A_407 : vector<16xf32> to vector<1x16xf32>
      tpu.vector_store %arg7[%swap3A_409, %swap3A_410], %swap3A_413 {strides = array<i32>} : memref<8x232xf32, #tpu.memory_space<vmem>>, vector<1x16xf32>,
      %get3A_414 = arith.constant 0 : i32
      %get3A_415 = arith.index_cast %get3A_414 : i32 to index
      %get3A_416 = arith.index_cast %and3A_282 : i32 to index
      %get3A_417 = arith.constant 176 : index
      %get3A_418 = tpu.vector_load %arg6[%get3A_415, %get3A_416, %get3A_417] {strides = array<i32>} : memref<8x8x232xf32, #tpu.memory_space<vmem>>, vector<1x1x16xf32>,
      %get3A_419 = vector.shape_cast %get3A_418 : vector<1x1x16xf32> to vector<16xf32>
      %swap3A_420 = arith.constant 0 : i32
      %swap3A_421 = arith.index_cast %swap3A_420 : i32 to index
      %swap3A_422 = arith.constant 176 : index
      %swap3A_423 = tpu.vector_load %arg7[%swap3A_421, %swap3A_422] {strides = array<i32>} : memref<8x232xf32, #tpu.memory_space<vmem>>, vector<1x16xf32>,
      %swap3A_424 = vector.shape_cast %swap3A_423 : vector<1x16xf32> to vector<16xf32>
      %swap3A_425 = vector.shape_cast %get3A_419 : vector<16xf32> to vector<1x16xf32>
      tpu.vector_store %arg7[%swap3A_421, %swap3A_422], %swap3A_425 {strides = array<i32>} : memref<8x232xf32, #tpu.memory_space<vmem>>, vector<1x16xf32>,
      %get3A_426 = arith.constant 0 : i32
      %get3A_427 = arith.index_cast %get3A_426 : i32 to index
      %get3A_428 = arith.index_cast %and3A_282 : i32 to index
      %get3A_429 = arith.constant 192 : index
      %get3A_430 = tpu.vector_load %arg6[%get3A_427, %get3A_428, %get3A_429] {strides = array<i32>} : memref<8x8x232xf32, #tpu.memory_space<vmem>>, vector<1x1x16xf32>,
      %get3A_431 = vector.shape_cast %get3A_430 : vector<1x1x16xf32> to vector<16xf32>
      %swap3A_432 = arith.constant 0 : i32
      %swap3A_433 = arith.index_cast %swap3A_432 : i32 to index
      %swap3A_434 = arith.constant 192 : index
      %swap3A_435 = tpu.vector_load %arg7[%swap3A_433, %swap3A_434] {strides = array<i32>} : memref<8x232xf32, #tpu.memory_space<vmem>>, vector<1x16xf32>,
      %swap3A_436 = vector.shape_cast %swap3A_435 : vector<1x16xf32> to vector<16xf32>
      %swap3A_437 = vector.shape_cast %get3A_431 : vector<16xf32> to vector<1x16xf32>
      tpu.vector_store %arg7[%swap3A_433, %swap3A_434], %swap3A_437 {strides = array<i32>} : memref<8x232xf32, #tpu.memory_space<vmem>>, vector<1x16xf32>,
      %get3A_438 = arith.constant 0 : i32
      %get3A_439 = arith.index_cast %get3A_438 : i32 to index
      %get3A_440 = arith.index_cast %and3A_282 : i32 to index
      %get3A_441 = arith.constant 208 : index
      %get3A_442 = tpu.vector_load %arg6[%get3A_439, %get3A_440, %get3A_441] {strides = array<i32>} : memref<8x8x232xf32, #tpu.memory_space<vmem>>, vector<1x1x16xf32>,
      %get3A_443 = vector.shape_cast %get3A_442 : vector<1x1x16xf32> to vector<16xf32>
      %swap3A_444 = arith.constant 0 : i32
      %swap3A_445 = arith.index_cast %swap3A_444 : i32 to index
      %swap3A_446 = arith.constant 208 : index
      %swap3A_447 = tpu.vector_load %arg7[%swap3A_445, %swap3A_446] {strides = array<i32>} : memref<8x232xf32, #tpu.memory_space<vmem>>, vector<1x16xf32>,
      %swap3A_448 = vector.shape_cast %swap3A_447 : vector<1x16xf32> to vector<16xf32>
      %swap3A_449 = vector.shape_cast %get3A_443 : vector<16xf32> to vector<1x16xf32>
      tpu.vector_store %arg7[%swap3A_445, %swap3A_446], %swap3A_449 {strides = array<i32>} : memref<8x232xf32, #tpu.memory_space<vmem>>, vector<1x16xf32>,
      %get3A_450 = arith.constant 0 : i32
      %get3A_451 = arith.index_cast %get3A_450 : i32 to index
      %get3A_452 = arith.index_cast %and3A_282 : i32 to index
      %get3A_453 = arith.constant 216 : index
      %get3A_454 = tpu.vector_load %arg6[%get3A_451, %get3A_452, %get3A_453] {strides = array<i32>} : memref<8x8x232xf32, #tpu.memory_space<vmem>>, vector<1x1x16xf32>,
      %get3A_455 = vector.shape_cast %get3A_454 : vector<1x1x16xf32> to vector<16xf32>
      %swap3A_456 = arith.constant 0 : i32
      %swap3A_457 = arith.index_cast %swap3A_456 : i32 to index
      %swap3A_458 = arith.constant 216 : index
      %swap3A_459 = tpu.vector_load %arg7[%swap3A_457, %swap3A_458] {strides = array<i32>} : memref<8x232xf32, #tpu.memory_space<vmem>>, vector<1x16xf32>,
      %swap3A_460 = vector.shape_cast %swap3A_459 : vector<1x16xf32> to vector<16xf32>
      %swap3A_461 = vector.shape_cast %get3A_455 : vector<16xf32> to vector<1x16xf32>
      tpu.vector_store %arg7[%swap3A_457, %swap3A_458], %swap3A_461 {strides = array<i32>} : memref<8x232xf32, #tpu.memory_space<vmem>>, vector<1x16xf32>,
      %slice3A_462 = vector.extract_strided_slice %get3A_6 {offsets = [1], sizes = [1], strides = [1]} : vector<16xi32> to vector<1xi32>
      %squeeze3A_463 = vector.extract %slice3A_462[0] : i32 from vector<1xi32>
      %and3A_464 = arith.constant 7 : i32
      %and3A_465 = arith.andi %squeeze3A_463, %and3A_464 : i32
      %get3A_466 = arith.constant 1 : i32
      %get3A_467 = arith.index_cast %get3A_466 : i32 to index
      %get3A_468 = arith.index_cast %and3A_465 : i32 to index
      %get3A_469 = arith.constant 0 : index
      %get3A_470 = tpu.vector_load %arg6[%get3A_467, %get3A_468, %get3A_469] {strides = array<i32>} : memref<8x8x232xf32, #tpu.memory_space<vmem>>, vector<1x1x16xf32>,
      %get3A_471 = vector.shape_cast %get3A_470 : vector<1x1x16xf32> to vector<16xf32>
      %swap3A_472 = arith.constant 1 : i32
      %swap3A_473 = arith.index_cast %swap3A_472 : i32 to index
      %swap3A_474 = arith.constant 0 : index
      %swap3A_475 = tpu.vector_load %arg7[%swap3A_473, %swap3A_474] {strides = array<i32>} : memref<8x232xf32, #tpu.memory_space<vmem>>, vector<1x16xf32>,
      %swap3A_476 = vector.shape_cast %swap3A_475 : vector<1x16xf32> to vector<16xf32>
      %swap3A_477 = vector.shape_cast %get3A_471 : vector<16xf32> to vector<1x16xf32>
      tpu.vector_store %arg7[%swap3A_473, %swap3A_474], %swap3A_477 {strides = array<i32>} : memref<8x232xf32, #tpu.memory_space<vmem>>, vector<1x16xf32>,
      %get3A_478 = arith.constant 1 : i32
      %get3A_479 = arith.index_cast %get3A_478 : i32 to index
      %get3A_480 = arith.index_cast %and3A_465 : i32 to index
      %get3A_481 = arith.constant 16 : index
      %get3A_482 = tpu.vector_load %arg6[%get3A_479, %get3A_480, %get3A_481] {strides = array<i32>} : memref<8x8x232xf32, #tpu.memory_space<vmem>>, vector<1x1x16xf32>,
      %get3A_483 = vector.shape_cast %get3A_482 : vector<1x1x16xf32> to vector<16xf32>
      %swap3A_484 = arith.constant 1 : i32
      %swap3A_485 = arith.index_cast %swap3A_484 : i32 to index
      %swap3A_486 = arith.constant 16 : index
      %swap3A_487 = tpu.vector_load %arg7[%swap3A_485, %swap3A_486] {strides = array<i32>} : memref<8x232xf32, #tpu.memory_space<vmem>>, vector<1x16xf32>,
      %swap3A_488 = vector.shape_cast %swap3A_487 : vector<1x16xf32> to vector<16xf32>
      %swap3A_489 = vector.shape_cast %get3A_483 : vector<16xf32> to vector<1x16xf32>
      tpu.vector_store %arg7[%swap3A_485, %swap3A_486], %swap3A_489 {strides = array<i32>} : memref<8x232xf32, #tpu.memory_space<vmem>>, vector<1x16xf32>,
      %get3A_490 = arith.constant 1 : i32
      %get3A_491 = arith.index_cast %get3A_490 : i32 to index
      %get3A_492 = arith.index_cast %and3A_465 : i32 to index
      %get3A_493 = arith.constant 32 : index
      %get3A_494 = tpu.vector_load %arg6[%get3A_491, %get3A_492, %get3A_493] {strides = array<i32>} : memref<8x8x232xf32, #tpu.memory_space<vmem>>, vector<1x1x16xf32>,
      %get3A_495 = vector.shape_cast %get3A_494 : vector<1x1x16xf32> to vector<16xf32>
      %swap3A_496 = arith.constant 1 : i32
      %swap3A_497 = arith.index_cast %swap3A_496 : i32 to index
      %swap3A_498 = arith.constant 32 : index
      %swap3A_499 = tpu.vector_load %arg7[%swap3A_497, %swap3A_498] {strides = array<i32>} : memref<8x232xf32, #tpu.memory_space<vmem>>, vector<1x16xf32>,
      %swap3A_500 = vector.shape_cast %swap3A_499 : vector<1x16xf32> to vector<16xf32>
      %swap3A_501 = vector.shape_cast %get3A_495 : vector<16xf32> to vector<1x16xf32>
      tpu.vector_store %arg7[%swap3A_497, %swap3A_498], %swap3A_501 {strides = array<i32>} : memref<8x232xf32, #tpu.memory_space<vmem>>, vector<1x16xf32>,
      %get3A_502 = arith.constant 1 : i32
      %get3A_503 = arith.index_cast %get3A_502 : i32 to index
      %get3A_504 = arith.index_cast %and3A_465 : i32 to index
      %get3A_505 = arith.constant 48 : index
      %get3A_506 = tpu.vector_load %arg6[%get3A_503, %get3A_504, %get3A_505] {strides = array<i32>} : memref<8x8x232xf32, #tpu.memory_space<vmem>>, vector<1x1x16xf32>,
      %get3A_507 = vector.shape_cast %get3A_506 : vector<1x1x16xf32> to vector<16xf32>
      %swap3A_508 = arith.constant 1 : i32
      %swap3A_509 = arith.index_cast %swap3A_508 : i32 to index
      %swap3A_510 = arith.constant 48 : index
      %swap3A_511 = tpu.vector_load %arg7[%swap3A_509, %swap3A_510] {strides = array<i32>} : memref<8x232xf32, #tpu.memory_space<vmem>>, vector<1x16xf32>,
      %swap3A_512 = vector.shape_cast %swap3A_511 : vector<1x16xf32> to vector<16xf32>
      %swap3A_513 = vector.shape_cast %get3A_507 : vector<16xf32> to vector<1x16xf32>
      tpu.vector_store %arg7[%swap3A_509, %swap3A_510], %swap3A_513 {strides = array<i32>} : memref<8x232xf32, #tpu.memory_space<vmem>>, vector<1x16xf32>,
      %get3A_514 = arith.constant 1 : i32
      %get3A_515 = arith.index_cast %get3A_514 : i32 to index
      %get3A_516 = arith.index_cast %and3A_465 : i32 to index
      %get3A_517 = arith.constant 64 : index
      %get3A_518 = tpu.vector_load %arg6[%get3A_515, %get3A_516, %get3A_517] {strides = array<i32>} : memref<8x8x232xf32, #tpu.memory_space<vmem>>, vector<1x1x16xf32>,
      %get3A_519 = vector.shape_cast %get3A_518 : vector<1x1x16xf32> to vector<16xf32>
      %swap3A_520 = arith.constant 1 : i32
      %swap3A_521 = arith.index_cast %swap3A_520 : i32 to index
      %swap3A_522 = arith.constant 64 : index
      %swap3A_523 = tpu.vector_load %arg7[%swap3A_521, %swap3A_522] {strides = array<i32>} : memref<8x232xf32, #tpu.memory_space<vmem>>, vector<1x16xf32>,
      %swap3A_524 = vector.shape_cast %swap3A_523 : vector<1x16xf32> to vector<16xf32>
      %swap3A_525 = vector.shape_cast %get3A_519 : vector<16xf32> to vector<1x16xf32>
      tpu.vector_store %arg7[%swap3A_521, %swap3A_522], %swap3A_525 {strides = array<i32>} : memref<8x232xf32, #tpu.memory_space<vmem>>, vector<1x16xf32>,
      %get3A_526 = arith.constant 1 : i32
      %get3A_527 = arith.index_cast %get3A_526 : i32 to index
      %get3A_528 = arith.index_cast %and3A_465 : i32 to index
      %get3A_529 = arith.constant 80 : index
      %get3A_530 = tpu.vector_load %arg6[%get3A_527, %get3A_528, %get3A_529] {strides = array<i32>} : memref<8x8x232xf32, #tpu.memory_space<vmem>>, vector<1x1x16xf32>,
      %get3A_531 = vector.shape_cast %get3A_530 : vector<1x1x16xf32> to vector<16xf32>
      %swap3A_532 = arith.constant 1 : i32
      %swap3A_533 = arith.index_cast %swap3A_532 : i32 to index
      %swap3A_534 = arith.constant 80 : index
      %swap3A_535 = tpu.vector_load %arg7[%swap3A_533, %swap3A_534] {strides = array<i32>} : memref<8x232xf32, #tpu.memory_space<vmem>>, vector<1x16xf32>,
      %swap3A_536 = vector.shape_cast %swap3A_535 : vector<1x16xf32> to vector<16xf32>
      %swap3A_537 = vector.shape_cast %get3A_531 : vector<16xf32> to vector<1x16xf32>
      tpu.vector_store %arg7[%swap3A_533, %swap3A_534], %swap3A_537 {strides = array<i32>} : memref<8x232xf32, #tpu.memory_space<vmem>>, vector<1x16xf32>,
      %get3A_538 = arith.constant 1 : i32
      %get3A_539 = arith.index_cast %get3A_538 : i32 to index
      %get3A_540 = arith.index_cast %and3A_465 : i32 to index
      %get3A_541 = arith.constant 96 : index
      %get3A_542 = tpu.vector_load %arg6[%get3A_539, %get3A_540, %get3A_541] {strides = array<i32>} : memref<8x8x232xf32, #tpu.memory_space<vmem>>, vector<1x1x16xf32>,
      %get3A_543 = vector.shape_cast %get3A_542 : vector<1x1x16xf32> to vector<16xf32>
      %swap3A_544 = arith.constant 1 : i32
      %swap3A_545 = arith.index_cast %swap3A_544 : i32 to index
      %swap3A_546 = arith.constant 96 : index
      %swap3A_547 = tpu.vector_load %arg7[%swap3A_545, %swap3A_546] {strides = array<i32>} : memref<8x232xf32, #tpu.memory_space<vmem>>, vector<1x16xf32>,
      %swap3A_548 = vector.shape_cast %swap3A_547 : vector<1x16xf32> to vector<16xf32>
      %swap3A_549 = vector.shape_cast %get3A_543 : vector<16xf32> to vector<1x16xf32>
      tpu.vector_store %arg7[%swap3A_545, %swap3A_546], %swap3A_549 {strides = array<i32>} : memref<8x232xf32, #tpu.memory_space<vmem>>, vector<1x16xf32>,
      %get3A_550 = arith.constant 1 : i32
      %get3A_551 = arith.index_cast %get3A_550 : i32 to index
      %get3A_552 = arith.index_cast %and3A_465 : i32 to index
      %get3A_553 = arith.constant 112 : index
      %get3A_554 = tpu.vector_load %arg6[%get3A_551, %get3A_552, %get3A_553] {strides = array<i32>} : memref<8x8x232xf32, #tpu.memory_space<vmem>>, vector<1x1x16xf32>,
      %get3A_555 = vector.shape_cast %get3A_554 : vector<1x1x16xf32> to vector<16xf32>
      %swap3A_556 = arith.constant 1 : i32
      %swap3A_557 = arith.index_cast %swap3A_556 : i32 to index
      %swap3A_558 = arith.constant 112 : index
      %swap3A_559 = tpu.vector_load %arg7[%swap3A_557, %swap3A_558] {strides = array<i32>} : memref<8x232xf32, #tpu.memory_space<vmem>>, vector<1x16xf32>,
      %swap3A_560 = vector.shape_cast %swap3A_559 : vector<1x16xf32> to vector<16xf32>
      %swap3A_561 = vector.shape_cast %get3A_555 : vector<16xf32> to vector<1x16xf32>
      tpu.vector_store %arg7[%swap3A_557, %swap3A_558], %swap3A_561 {strides = array<i32>} : memref<8x232xf32, #tpu.memory_space<vmem>>, vector<1x16xf32>,
      %get3A_562 = arith.constant 1 : i32
      %get3A_563 = arith.index_cast %get3A_562 : i32 to index
      %get3A_564 = arith.index_cast %and3A_465 : i32 to index
      %get3A_565 = arith.constant 128 : index
      %get3A_566 = tpu.vector_load %arg6[%get3A_563, %get3A_564, %get3A_565] {strides = array<i32>} : memref<8x8x232xf32, #tpu.memory_space<vmem>>, vector<1x1x16xf32>,
      %get3A_567 = vector.shape_cast %get3A_566 : vector<1x1x16xf32> to vector<16xf32>
      %swap3A_568 = arith.constant 1 : i32
      %swap3A_569 = arith.index_cast %swap3A_568 : i32 to index
      %swap3A_570 = arith.constant 128 : index
      %swap3A_571 = tpu.vector_load %arg7[%swap3A_569, %swap3A_570] {strides = array<i32>} : memref<8x232xf32, #tpu.memory_space<vmem>>, vector<1x16xf32>,
      %swap3A_572 = vector.shape_cast %swap3A_571 : vector<1x16xf32> to vector<16xf32>
      %swap3A_573 = vector.shape_cast %get3A_567 : vector<16xf32> to vector<1x16xf32>
      tpu.vector_store %arg7[%swap3A_569, %swap3A_570], %swap3A_573 {strides = array<i32>} : memref<8x232xf32, #tpu.memory_space<vmem>>, vector<1x16xf32>,
      %get3A_574 = arith.constant 1 : i32
      %get3A_575 = arith.index_cast %get3A_574 : i32 to index
      %get3A_576 = arith.index_cast %and3A_465 : i32 to index
      %get3A_577 = arith.constant 144 : index
      %get3A_578 = tpu.vector_load %arg6[%get3A_575, %get3A_576, %get3A_577] {strides = array<i32>} : memref<8x8x232xf32, #tpu.memory_space<vmem>>, vector<1x1x16xf32>,
      %get3A_579 = vector.shape_cast %get3A_578 : vector<1x1x16xf32> to vector<16xf32>
      %swap3A_580 = arith.constant 1 : i32
      %swap3A_581 = arith.index_cast %swap3A_580 : i32 to index
      %swap3A_582 = arith.constant 144 : index
      %swap3A_583 = tpu.vector_load %arg7[%swap3A_581, %swap3A_582] {strides = array<i32>} : memref<8x232xf32, #tpu.memory_space<vmem>>, vector<1x16xf32>,
      %swap3A_584 = vector.shape_cast %swap3A_583 : vector<1x16xf32> to vector<16xf32>
      %swap3A_585 = vector.shape_cast %get3A_579 : vector<16xf32> to vector<1x16xf32>
      tpu.vector_store %arg7[%swap3A_581, %swap3A_582], %swap3A_585 {strides = array<i32>} : memref<8x232xf32, #tpu.memory_space<vmem>>, vector<1x16xf32>,
      %get3A_586 = arith.constant 1 : i32
      %get3A_587 = arith.index_cast %get3A_586 : i32 to index
      %get3A_588 = arith.index_cast %and3A_465 : i32 to index
      %get3A_589 = arith.constant 160 : index
      %get3A_590 = tpu.vector_load %arg6[%get3A_587, %get3A_588, %get3A_589] {strides = array<i32>} : memref<8x8x232xf32, #tpu.memory_space<vmem>>, vector<1x1x16xf32>,
      %get3A_591 = vector.shape_cast %get3A_590 : vector<1x1x16xf32> to vector<16xf32>
      %swap3A_592 = arith.constant 1 : i32
      %swap3A_593 = arith.index_cast %swap3A_592 : i32 to index
      %swap3A_594 = arith.constant 160 : index
      %swap3A_595 = tpu.vector_load %arg7[%swap3A_593, %swap3A_594] {strides = array<i32>} : memref<8x232xf32, #tpu.memory_space<vmem>>, vector<1x16xf32>,
      %swap3A_596 = vector.shape_cast %swap3A_595 : vector<1x16xf32> to vector<16xf32>
      %swap3A_597 = vector.shape_cast %get3A_591 : vector<16xf32> to vector<1x16xf32>
      tpu.vector_store %arg7[%swap3A_593, %swap3A_594], %swap3A_597 {strides = array<i32>} : memref<8x232xf32, #tpu.memory_space<vmem>>, vector<1x16xf32>,
      %get3A_598 = arith.constant 1 : i32
      %get3A_599 = arith.index_cast %get3A_598 : i32 to index
      %get3A_600 = arith.index_cast %and3A_465 : i32 to index
      %get3A_601 = arith.constant 176 : index
      %get3A_602 = tpu.vector_load %arg6[%get3A_599, %get3A_600, %get3A_601] {strides = array<i32>} : memref<8x8x232xf32, #tpu.memory_space<vmem>>, vector<1x1x16xf32>,
      %get3A_603 = vector.shape_cast %get3A_602 : vector<1x1x16xf32> to vector<16xf32>
      %swap3A_604 = arith.constant 1 : i32
      %swap3A_605 = arith.index_cast %swap3A_604 : i32 to index
      %swap3A_606 = arith.constant 176 : index
      %swap3A_607 = tpu.vector_load %arg7[%swap3A_605, %swap3A_606] {strides = array<i32>} : memref<8x232xf32, #tpu.memory_space<vmem>>, vector<1x16xf32>,
      %swap3A_608 = vector.shape_cast %swap3A_607 : vector<1x16xf32> to vector<16xf32>
      %swap3A_609 = vector.shape_cast %get3A_603 : vector<16xf32> to vector<1x16xf32>
      tpu.vector_store %arg7[%swap3A_605, %swap3A_606], %swap3A_609 {strides = array<i32>} : memref<8x232xf32, #tpu.memory_space<vmem>>, vector<1x16xf32>,
      %get3A_610 = arith.constant 1 : i32
      %get3A_611 = arith.index_cast %get3A_610 : i32 to index
      %get3A_612 = arith.index_cast %and3A_465 : i32 to index
      %get3A_613 = arith.constant 192 : index
      %get3A_614 = tpu.vector_load %arg6[%get3A_611, %get3A_612, %get3A_613] {strides = array<i32>} : memref<8x8x232xf32, #tpu.memory_space<vmem>>, vector<1x1x16xf32>,
      %get3A_615 = vector.shape_cast %get3A_614 : vector<1x1x16xf32> to vector<16xf32>
      %swap3A_616 = arith.constant 1 : i32
      %swap3A_617 = arith.index_cast %swap3A_616 : i32 to index
      %swap3A_618 = arith.constant 192 : index
      %swap3A_619 = tpu.vector_load %arg7[%swap3A_617, %swap3A_618] {strides = array<i32>} : memref<8x232xf32, #tpu.memory_space<vmem>>, vector<1x16xf32>,
      %swap3A_620 = vector.shape_cast %swap3A_619 : vector<1x16xf32> to vector<16xf32>
      %swap3A_621 = vector.shape_cast %get3A_615 : vector<16xf32> to vector<1x16xf32>
      tpu.vector_store %arg7[%swap3A_617, %swap3A_618], %swap3A_621 {strides = array<i32>} : memref<8x232xf32, #tpu.memory_space<vmem>>, vector<1x16xf32>,
      %get3A_622 = arith.constant 1 : i32
      %get3A_623 = arith.index_cast %get3A_622 : i32 to index
      %get3A_624 = arith.index_cast %and3A_465 : i32 to index
      %get3A_625 = arith.constant 208 : index
      %get3A_626 = tpu.vector_load %arg6[%get3A_623, %get3A_624, %get3A_625] {strides = array<i32>} : memref<8x8x232xf32, #tpu.memory_space<vmem>>, vector<1x1x16xf32>,
      %get3A_627 = vector.shape_cast %get3A_626 : vector<1x1x16xf32> to vector<16xf32>
      %swap3A_628 = arith.constant 1 : i32
      %swap3A_629 = arith.index_cast %swap3A_628 : i32 to index
      %swap3A_630 = arith.constant 208 : index
      %swap3A_631 = tpu.vector_load %arg7[%swap3A_629, %swap3A_630] {strides = array<i32>} : memref<8x232xf32, #tpu.memory_space<vmem>>, vector<1x16xf32>,
      %swap3A_632 = vector.shape_cast %swap3A_631 : vector<1x16xf32> to vector<16xf32>
      %swap3A_633 = vector.shape_cast %get3A_627 : vector<16xf32> to vector<1x16xf32>
      tpu.vector_store %arg7[%swap3A_629, %swap3A_630], %swap3A_633 {strides = array<i32>} : memref<8x232xf32, #tpu.memory_space<vmem>>, vector<1x16xf32>,
      %get3A_634 = arith.constant 1 : i32
      %get3A_635 = arith.index_cast %get3A_634 : i32 to index
      %get3A_636 = arith.index_cast %and3A_465 : i32 to index
      %get3A_637 = arith.constant 216 : index
      %get3A_638 = tpu.vector_load %arg6[%get3A_635, %get3A_636, %get3A_637] {strides = array<i32>} : memref<8x8x232xf32, #tpu.memory_space<vmem>>, vector<1x1x16xf32>,
      %get3A_639 = vector.shape_cast %get3A_638 : vector<1x1x16xf32> to vector<16xf32>
      %swap3A_640 = arith.constant 1 : i32
      %swap3A_641 = arith.index_cast %swap3A_640 : i32 to index
      %swap3A_642 = arith.constant 216 : index
      %swap3A_643 = tpu.vector_load %arg7[%swap3A_641, %swap3A_642] {strides = array<i32>} : memref<8x232xf32, #tpu.memory_space<vmem>>, vector<1x16xf32>,
      %swap3A_644 = vector.shape_cast %swap3A_643 : vector<1x16xf32> to vector<16xf32>
      %swap3A_645 = vector.shape_cast %get3A_639 : vector<16xf32> to vector<1x16xf32>
      tpu.vector_store %arg7[%swap3A_641, %swap3A_642], %swap3A_645 {strides = array<i32>} : memref<8x232xf32, #tpu.memory_space<vmem>>, vector<1x16xf32>,
      %slice3A_646 = vector.extract_strided_slice %get3A_6 {offsets = [2], sizes = [1], strides = [1]} : vector<16xi32> to vector<1xi32>
      %squeeze3A_647 = vector.extract %slice3A_646[0] : i32 from vector<1xi32>
      %and3A_648 = arith.constant 7 : i32
      %and3A_649 = arith.andi %squeeze3A_647, %and3A_648 : i32
      %get3A_650 = arith.constant 2 : i32
      %get3A_651 = arith.index_cast %get3A_650 : i32 to index
      %get3A_652 = arith.index_cast %and3A_649 : i32 to index
      %get3A_653 = arith.constant 0 : index
      %get3A_654 = tpu.vector_load %arg6[%get3A_651, %get3A_652, %get3A_653] {strides = array<i32>} : memref<8x8x232xf32, #tpu.memory_space<vmem>>, vector<1x1x16xf32>,
      %get3A_655 = vector.shape_cast %get3A_654 : vector<1x1x16xf32> to vector<16xf32>
      %swap3A_656 = arith.constant 2 : i32
      %swap3A_657 = arith.index_cast %swap3A_656 : i32 to index
      %swap3A_658 = arith.constant 0 : index
      %swap3A_659 = tpu.vector_load %arg7[%swap3A_657, %swap3A_658] {strides = array<i32>} : memref<8x232xf32, #tpu.memory_space<vmem>>, vector<1x16xf32>,
      %swap3A_660 = vector.shape_cast %swap3A_659 : vector<1x16xf32> to vector<16xf32>
      %swap3A_661 = vector.shape_cast %get3A_655 : vector<16xf32> to vector<1x16xf32>
      tpu.vector_store %arg7[%swap3A_657, %swap3A_658], %swap3A_661 {strides = array<i32>} : memref<8x232xf32, #tpu.memory_space<vmem>>, vector<1x16xf32>,
      %get3A_662 = arith.constant 2 : i32
      %get3A_663 = arith.index_cast %get3A_662 : i32 to index
      %get3A_664 = arith.index_cast %and3A_649 : i32 to index
      %get3A_665 = arith.constant 16 : index
      %get3A_666 = tpu.vector_load %arg6[%get3A_663, %get3A_664, %get3A_665] {strides = array<i32>} : memref<8x8x232xf32, #tpu.memory_space<vmem>>, vector<1x1x16xf32>,
      %get3A_667 = vector.shape_cast %get3A_666 : vector<1x1x16xf32> to vector<16xf32>
      %swap3A_668 = arith.constant 2 : i32
      %swap3A_669 = arith.index_cast %swap3A_668 : i32 to index
      %swap3A_670 = arith.constant 16 : index
      %swap3A_671 = tpu.vector_load %arg7[%swap3A_669, %swap3A_670] {strides = array<i32>} : memref<8x232xf32, #tpu.memory_space<vmem>>, vector<1x16xf32>,
      %swap3A_672 = vector.shape_cast %swap3A_671 : vector<1x16xf32> to vector<16xf32>
      %swap3A_673 = vector.shape_cast %get3A_667 : vector<16xf32> to vector<1x16xf32>
      tpu.vector_store %arg7[%swap3A_669, %swap3A_670], %swap3A_673 {strides = array<i32>} : memref<8x232xf32, #tpu.memory_space<vmem>>, vector<1x16xf32>,
      %get3A_674 = arith.constant 2 : i32
      %get3A_675 = arith.index_cast %get3A_674 : i32 to index
      %get3A_676 = arith.index_cast %and3A_649 : i32 to index
      %get3A_677 = arith.constant 32 : index
      %get3A_678 = tpu.vector_load %arg6[%get3A_675, %get3A_676, %get3A_677] {strides = array<i32>} : memref<8x8x232xf32, #tpu.memory_space<vmem>>, vector<1x1x16xf32>,
      %get3A_679 = vector.shape_cast %get3A_678 : vector<1x1x16xf32> to vector<16xf32>
      %swap3A_680 = arith.constant 2 : i32
      %swap3A_681 = arith.index_cast %swap3A_680 : i32 to index
      %swap3A_682 = arith.constant 32 : index
      %swap3A_683 = tpu.vector_load %arg7[%swap3A_681, %swap3A_682] {strides = array<i32>} : memref<8x232xf32, #tpu.memory_space<vmem>>, vector<1x16xf32>,
      %swap3A_684 = vector.shape_cast %swap3A_683 : vector<1x16xf32> to vector<16xf32>
      %swap3A_685 = vector.shape_cast %get3A_679 : vector<16xf32> to vector<1x16xf32>
      tpu.vector_store %arg7[%swap3A_681, %swap3A_682], %swap3A_685 {strides = array<i32>} : memref<8x232xf32, #tpu.memory_space<vmem>>, vector<1x16xf32>,
      %get3A_686 = arith.constant 2 : i32
      %get3A_687 = arith.index_cast %get3A_686 : i32 to index
      %get3A_688 = arith.index_cast %and3A_649 : i32 to index
      %get3A_689 = arith.constant 48 : index
      %get3A_690 = tpu.vector_load %arg6[%get3A_687, %get3A_688, %get3A_689] {strides = array<i32>} : memref<8x8x232xf32, #tpu.memory_space<vmem>>, vector<1x1x16xf32>,
      %get3A_691 = vector.shape_cast %get3A_690 : vector<1x1x16xf32> to vector<16xf32>
      %swap3A_692 = arith.constant 2 : i32
      %swap3A_693 = arith.index_cast %swap3A_692 : i32 to index
      %swap3A_694 = arith.constant 48 : index
      %swap3A_695 = tpu.vector_load %arg7[%swap3A_693, %swap3A_694] {strides = array<i32>} : memref<8x232xf32, #tpu.memory_space<vmem>>, vector<1x16xf32>,
      %swap3A_696 = vector.shape_cast %swap3A_695 : vector<1x16xf32> to vector<16xf32>
      %swap3A_697 = vector.shape_cast %get3A_691 : vector<16xf32> to vector<1x16xf32>
      tpu.vector_store %arg7[%swap3A_693, %swap3A_694], %swap3A_697 {strides = array<i32>} : memref<8x232xf32, #tpu.memory_space<vmem>>, vector<1x16xf32>,
      %get3A_698 = arith.constant 2 : i32
      %get3A_699 = arith.index_cast %get3A_698 : i32 to index
      %get3A_700 = arith.index_cast %and3A_649 : i32 to index
      %get3A_701 = arith.constant 64 : index
      %get3A_702 = tpu.vector_load %arg6[%get3A_699, %get3A_700, %get3A_701] {strides = array<i32>} : memref<8x8x232xf32, #tpu.memory_space<vmem>>, vector<1x1x16xf32>,
      %get3A_703 = vector.shape_cast %get3A_702 : vector<1x1x16xf32> to vector<16xf32>
      %swap3A_704 = arith.constant 2 : i32
      %swap3A_705 = arith.index_cast %swap3A_704 : i32 to index
      %swap3A_706 = arith.constant 64 : index
      %swap3A_707 = tpu.vector_load %arg7[%swap3A_705, %swap3A_706] {strides = array<i32>} : memref<8x232xf32, #tpu.memory_space<vmem>>, vector<1x16xf32>,
      %swap3A_708 = vector.shape_cast %swap3A_707 : vector<1x16xf32> to vector<16xf32>
      %swap3A_709 = vector.shape_cast %get3A_703 : vector<16xf32> to vector<1x16xf32>
      tpu.vector_store %arg7[%swap3A_705, %swap3A_706], %swap3A_709 {strides = array<i32>} : memref<8x232xf32, #tpu.memory_space<vmem>>, vector<1x16xf32>,
      %get3A_710 = arith.constant 2 : i32
      %get3A_711 = arith.index_cast %get3A_710 : i32 to index
      %get3A_712 = arith.index_cast %and3A_649 : i32 to index
      %get3A_713 = arith.constant 80 : index
      %get3A_714 = tpu.vector_load %arg6[%get3A_711, %get3A_712, %get3A_713] {strides = array<i32>} : memref<8x8x232xf32, #tpu.memory_space<vmem>>, vector<1x1x16xf32>,
      %get3A_715 = vector.shape_cast %get3A_714 : vector<1x1x16xf32> to vector<16xf32>
      %swap3A_716 = arith.constant 2 : i32
      %swap3A_717 = arith.index_cast %swap3A_716 : i32 to index
      %swap3A_718 = arith.constant 80 : index
      %swap3A_719 = tpu.vector_load %arg7[%swap3A_717, %swap3A_718] {strides = array<i32>} : memref<8x232xf32, #tpu.memory_space<vmem>>, vector<1x16xf32>,
      %swap3A_720 = vector.shape_cast %swap3A_719 : vector<1x16xf32> to vector<16xf32>
      %swap3A_721 = vector.shape_cast %get3A_715 : vector<16xf32> to vector<1x16xf32>
      tpu.vector_store %arg7[%swap3A_717, %swap3A_718], %swap3A_721 {strides = array<i32>} : memref<8x232xf32, #tpu.memory_space<vmem>>, vector<1x16xf32>,
      %get3A_722 = arith.constant 2 : i32
      %get3A_723 = arith.index_cast %get3A_722 : i32 to index
      %get3A_724 = arith.index_cast %and3A_649 : i32 to index
      %get3A_725 = arith.constant 96 : index
      %get3A_726 = tpu.vector_load %arg6[%get3A_723, %get3A_724, %get3A_725] {strides = array<i32>} : memref<8x8x232xf32, #tpu.memory_space<vmem>>, vector<1x1x16xf32>,
      %get3A_727 = vector.shape_cast %get3A_726 : vector<1x1x16xf32> to vector<16xf32>
      %swap3A_728 = arith.constant 2 : i32
      %swap3A_729 = arith.index_cast %swap3A_728 : i32 to index
      %swap3A_730 = arith.constant 96 : index
      %swap3A_731 = tpu.vector_load %arg7[%swap3A_729, %swap3A_730] {strides = array<i32>} : memref<8x232xf32, #tpu.memory_space<vmem>>, vector<1x16xf32>,
      %swap3A_732 = vector.shape_cast %swap3A_731 : vector<1x16xf32> to vector<16xf32>
      %swap3A_733 = vector.shape_cast %get3A_727 : vector<16xf32> to vector<1x16xf32>
      tpu.vector_store %arg7[%swap3A_729, %swap3A_730], %swap3A_733 {strides = array<i32>} : memref<8x232xf32, #tpu.memory_space<vmem>>, vector<1x16xf32>,
      %get3A_734 = arith.constant 2 : i32
      %get3A_735 = arith.index_cast %get3A_734 : i32 to index
      %get3A_736 = arith.index_cast %and3A_649 : i32 to index
      %get3A_737 = arith.constant 112 : index
      %get3A_738 = tpu.vector_load %arg6[%get3A_735, %get3A_736, %get3A_737] {strides = array<i32>} : memref<8x8x232xf32, #tpu.memory_space<vmem>>, vector<1x1x16xf32>,
      %get3A_739 = vector.shape_cast %get3A_738 : vector<1x1x16xf32> to vector<16xf32>
      %swap3A_740 = arith.constant 2 : i32
      %swap3A_741 = arith.index_cast %swap3A_740 : i32 to index
      %swap3A_742 = arith.constant 112 : index
      %swap3A_743 = tpu.vector_load %arg7[%swap3A_741, %swap3A_742] {strides = array<i32>} : memref<8x232xf32, #tpu.memory_space<vmem>>, vector<1x16xf32>,
      %swap3A_744 = vector.shape_cast %swap3A_743 : vector<1x16xf32> to vector<16xf32>
      %swap3A_745 = vector.shape_cast %get3A_739 : vector<16xf32> to vector<1x16xf32>
      tpu.vector_store %arg7[%swap3A_741, %swap3A_742], %swap3A_745 {strides = array<i32>} : memref<8x232xf32, #tpu.memory_space<vmem>>, vector<1x16xf32>,
      %get3A_746 = arith.constant 2 : i32
      %get3A_747 = arith.index_cast %get3A_746 : i32 to index
      %get3A_748 = arith.index_cast %and3A_649 : i32 to index
      %get3A_749 = arith.constant 128 : index
      %get3A_750 = tpu.vector_load %arg6[%get3A_747, %get3A_748, %get3A_749] {strides = array<i32>} : memref<8x8x232xf32, #tpu.memory_space<vmem>>, vector<1x1x16xf32>,
      %get3A_751 = vector.shape_cast %get3A_750 : vector<1x1x16xf32> to vector<16xf32>
      %swap3A_752 = arith.constant 2 : i32
      %swap3A_753 = arith.index_cast %swap3A_752 : i32 to index
      %swap3A_754 = arith.constant 128 : index
      %swap3A_755 = tpu.vector_load %arg7[%swap3A_753, %swap3A_754] {strides = array<i32>} : memref<8x232xf32, #tpu.memory_space<vmem>>, vector<1x16xf32>,
      %swap3A_756 = vector.shape_cast %swap3A_755 : vector<1x16xf32> to vector<16xf32>
      %swap3A_757 = vector.shape_cast %get3A_751 : vector<16xf32> to vector<1x16xf32>
      tpu.vector_store %arg7[%swap3A_753, %swap3A_754], %swap3A_757 {strides = array<i32>} : memref<8x232xf32, #tpu.memory_space<vmem>>, vector<1x16xf32>,
      %get3A_758 = arith.constant 2 : i32
      %get3A_759 = arith.index_cast %get3A_758 : i32 to index
      %get3A_760 = arith.index_cast %and3A_649 : i32 to index
      %get3A_761 = arith.constant 144 : index
      %get3A_762 = tpu.vector_load %arg6[%get3A_759, %get3A_760, %get3A_761] {strides = array<i32>} : memref<8x8x232xf32, #tpu.memory_space<vmem>>, vector<1x1x16xf32>,
      %get3A_763 = vector.shape_cast %get3A_762 : vector<1x1x16xf32> to vector<16xf32>
      %swap3A_764 = arith.constant 2 : i32
      %swap3A_765 = arith.index_cast %swap3A_764 : i32 to index
      %swap3A_766 = arith.constant 144 : index
      %swap3A_767 = tpu.vector_load %arg7[%swap3A_765, %swap3A_766] {strides = array<i32>} : memref<8x232xf32, #tpu.memory_space<vmem>>, vector<1x16xf32>,
      %swap3A_768 = vector.shape_cast %swap3A_767 : vector<1x16xf32> to vector<16xf32>
      %swap3A_769 = vector.shape_cast %get3A_763 : vector<16xf32> to vector<1x16xf32>
      tpu.vector_store %arg7[%swap3A_765, %swap3A_766], %swap3A_769 {strides = array<i32>} : memref<8x232xf32, #tpu.memory_space<vmem>>, vector<1x16xf32>,
      %get3A_770 = arith.constant 2 : i32
      %get3A_771 = arith.index_cast %get3A_770 : i32 to index
      %get3A_772 = arith.index_cast %and3A_649 : i32 to index
      %get3A_773 = arith.constant 160 : index
      %get3A_774 = tpu.vector_load %arg6[%get3A_771, %get3A_772, %get3A_773] {strides = array<i32>} : memref<8x8x232xf32, #tpu.memory_space<vmem>>, vector<1x1x16xf32>,
      %get3A_775 = vector.shape_cast %get3A_774 : vector<1x1x16xf32> to vector<16xf32>
      %swap3A_776 = arith.constant 2 : i32
      %swap3A_777 = arith.index_cast %swap3A_776 : i32 to index
      %swap3A_778 = arith.constant 160 : index
      %swap3A_779 = tpu.vector_load %arg7[%swap3A_777, %swap3A_778] {strides = array<i32>} : memref<8x232xf32, #tpu.memory_space<vmem>>, vector<1x16xf32>,
      %swap3A_780 = vector.shape_cast %swap3A_779 : vector<1x16xf32> to vector<16xf32>
      %swap3A_781 = vector.shape_cast %get3A_775 : vector<16xf32> to vector<1x16xf32>
      tpu.vector_store %arg7[%swap3A_777, %swap3A_778], %swap3A_781 {strides = array<i32>} : memref<8x232xf32, #tpu.memory_space<vmem>>, vector<1x16xf32>,
      %get3A_782 = arith.constant 2 : i32
      %get3A_783 = arith.index_cast %get3A_782 : i32 to index
      %get3A_784 = arith.index_cast %and3A_649 : i32 to index
      %get3A_785 = arith.constant 176 : index
      %get3A_786 = tpu.vector_load %arg6[%get3A_783, %get3A_784, %get3A_785] {strides = array<i32>} : memref<8x8x232xf32, #tpu.memory_space<vmem>>, vector<1x1x16xf32>,
      %get3A_787 = vector.shape_cast %get3A_786 : vector<1x1x16xf32> to vector<16xf32>
      %swap3A_788 = arith.constant 2 : i32
      %swap3A_789 = arith.index_cast %swap3A_788 : i32 to index
      %swap3A_790 = arith.constant 176 : index
      %swap3A_791 = tpu.vector_load %arg7[%swap3A_789, %swap3A_790] {strides = array<i32>} : memref<8x232xf32, #tpu.memory_space<vmem>>, vector<1x16xf32>,
      %swap3A_792 = vector.shape_cast %swap3A_791 : vector<1x16xf32> to vector<16xf32>
      %swap3A_793 = vector.shape_cast %get3A_787 : vector<16xf32> to vector<1x16xf32>
      tpu.vector_store %arg7[%swap3A_789, %swap3A_790], %swap3A_793 {strides = array<i32>} : memref<8x232xf32, #tpu.memory_space<vmem>>, vector<1x16xf32>,
      %get3A_794 = arith.constant 2 : i32
      %get3A_795 = arith.index_cast %get3A_794 : i32 to index
      %get3A_796 = arith.index_cast %and3A_649 : i32 to index
      %get3A_797 = arith.constant 192 : index
      %get3A_798 = tpu.vector_load %arg6[%get3A_795, %get3A_796, %get3A_797] {strides = array<i32>} : memref<8x8x232xf32, #tpu.memory_space<vmem>>, vector<1x1x16xf32>,
      %get3A_799 = vector.shape_cast %get3A_798 : vector<1x1x16xf32> to vector<16xf32>
      %swap3A_800 = arith.constant 2 : i32
      %swap3A_801 = arith.index_cast %swap3A_800 : i32 to index
      %swap3A_802 = arith.constant 192 : index
      %swap3A_803 = tpu.vector_load %arg7[%swap3A_801, %swap3A_802] {strides = array<i32>} : memref<8x232xf32, #tpu.memory_space<vmem>>, vector<1x16xf32>,
      %swap3A_804 = vector.shape_cast %swap3A_803 : vector<1x16xf32> to vector<16xf32>
      %swap3A_805 = vector.shape_cast %get3A_799 : vector<16xf32> to vector<1x16xf32>
      tpu.vector_store %arg7[%swap3A_801, %swap3A_802], %swap3A_805 {strides = array<i32>} : memref<8x232xf32, #tpu.memory_space<vmem>>, vector<1x16xf32>,
      %get3A_806 = arith.constant 2 : i32
      %get3A_807 = arith.index_cast %get3A_806 : i32 to index
      %get3A_808 = arith.index_cast %and3A_649 : i32 to index
      %get3A_809 = arith.constant 208 : index
      %get3A_810 = tpu.vector_load %arg6[%get3A_807, %get3A_808, %get3A_809] {strides = array<i32>} : memref<8x8x232xf32, #tpu.memory_space<vmem>>, vector<1x1x16xf32>,
      %get3A_811 = vector.shape_cast %get3A_810 : vector<1x1x16xf32> to vector<16xf32>
      %swap3A_812 = arith.constant 2 : i32
      %swap3A_813 = arith.index_cast %swap3A_812 : i32 to index
      %swap3A_814 = arith.constant 208 : index
      %swap3A_815 = tpu.vector_load %arg7[%swap3A_813, %swap3A_814] {strides = array<i32>} : memref<8x232xf32, #tpu.memory_space<vmem>>, vector<1x16xf32>,
      %swap3A_816 = vector.shape_cast %swap3A_815 : vector<1x16xf32> to vector<16xf32>
      %swap3A_817 = vector.shape_cast %get3A_811 : vector<16xf32> to vector<1x16xf32>
      tpu.vector_store %arg7[%swap3A_813, %swap3A_814], %swap3A_817 {strides = array<i32>} : memref<8x232xf32, #tpu.memory_space<vmem>>, vector<1x16xf32>,
      %get3A_818 = arith.constant 2 : i32
      %get3A_819 = arith.index_cast %get3A_818 : i32 to index
      %get3A_820 = arith.index_cast %and3A_649 : i32 to index
      %get3A_821 = arith.constant 216 : index
      %get3A_822 = tpu.vector_load %arg6[%get3A_819, %get3A_820, %get3A_821] {strides = array<i32>} : memref<8x8x232xf32, #tpu.memory_space<vmem>>, vector<1x1x16xf32>,
      %get3A_823 = vector.shape_cast %get3A_822 : vector<1x1x16xf32> to vector<16xf32>
      %swap3A_824 = arith.constant 2 : i32
      %swap3A_825 = arith.index_cast %swap3A_824 : i32 to index
      %swap3A_826 = arith.constant 216 : index
      %swap3A_827 = tpu.vector_load %arg7[%swap3A_825, %swap3A_826] {strides = array<i32>} : memref<8x232xf32, #tpu.memory_space<vmem>>, vector<1x16xf32>,
      %swap3A_828 = vector.shape_cast %swap3A_827 : vector<1x16xf32> to vector<16xf32>
      %swap3A_829 = vector.shape_cast %get3A_823 : vector<16xf32> to vector<1x16xf32>
      tpu.vector_store %arg7[%swap3A_825, %swap3A_826], %swap3A_829 {strides = array<i32>} : memref<8x232xf32, #tpu.memory_space<vmem>>, vector<1x16xf32>,
      %slice3A_830 = vector.extract_strided_slice %get3A_6 {offsets = [3], sizes = [1], strides = [1]} : vector<16xi32> to vector<1xi32>
      %squeeze3A_831 = vector.extract %slice3A_830[0] : i32 from vector<1xi32>
      %and3A_832 = arith.constant 7 : i32
      %and3A_833 = arith.andi %squeeze3A_831, %and3A_832 : i32
      %get3A_834 = arith.constant 3 : i32
      %get3A_835 = arith.index_cast %get3A_834 : i32 to index
      %get3A_836 = arith.index_cast %and3A_833 : i32 to index
      %get3A_837 = arith.constant 0 : index
      %get3A_838 = tpu.vector_load %arg6[%get3A_835, %get3A_836, %get3A_837] {strides = array<i32>} : memref<8x8x232xf32, #tpu.memory_space<vmem>>, vector<1x1x16xf32>,
      %get3A_839 = vector.shape_cast %get3A_838 : vector<1x1x16xf32> to vector<16xf32>
      %swap3A_840 = arith.constant 3 : i32
      %swap3A_841 = arith.index_cast %swap3A_840 : i32 to index
      %swap3A_842 = arith.constant 0 : index
      %swap3A_843 = tpu.vector_load %arg7[%swap3A_841, %swap3A_842] {strides = array<i32>} : memref<8x232xf32, #tpu.memory_space<vmem>>, vector<1x16xf32>,
      %swap3A_844 = vector.shape_cast %swap3A_843 : vector<1x16xf32> to vector<16xf32>
      %swap3A_845 = vector.shape_cast %get3A_839 : vector<16xf32> to vector<1x16xf32>
      tpu.vector_store %arg7[%swap3A_841, %swap3A_842], %swap3A_845 {strides = array<i32>} : memref<8x232xf32, #tpu.memory_space<vmem>>, vector<1x16xf32>,
      %get3A_846 = arith.constant 3 : i32
      %get3A_847 = arith.index_cast %get3A_846 : i32 to index
      %get3A_848 = arith.index_cast %and3A_833 : i32 to index
      %get3A_849 = arith.constant 16 : index
      %get3A_850 = tpu.vector_load %arg6[%get3A_847, %get3A_848, %get3A_849] {strides = array<i32>} : memref<8x8x232xf32, #tpu.memory_space<vmem>>, vector<1x1x16xf32>,
      %get3A_851 = vector.shape_cast %get3A_850 : vector<1x1x16xf32> to vector<16xf32>
      %swap3A_852 = arith.constant 3 : i32
      %swap3A_853 = arith.index_cast %swap3A_852 : i32 to index
      %swap3A_854 = arith.constant 16 : index
      %swap3A_855 = tpu.vector_load %arg7[%swap3A_853, %swap3A_854] {strides = array<i32>} : memref<8x232xf32, #tpu.memory_space<vmem>>, vector<1x16xf32>,
      %swap3A_856 = vector.shape_cast %swap3A_855 : vector<1x16xf32> to vector<16xf32>
      %swap3A_857 = vector.shape_cast %get3A_851 : vector<16xf32> to vector<1x16xf32>
      tpu.vector_store %arg7[%swap3A_853, %swap3A_854], %swap3A_857 {strides = array<i32>} : memref<8x232xf32, #tpu.memory_space<vmem>>, vector<1x16xf32>,
      %get3A_858 = arith.constant 3 : i32
      %get3A_859 = arith.index_cast %get3A_858 : i32 to index
      %get3A_860 = arith.index_cast %and3A_833 : i32 to index
      %get3A_861 = arith.constant 32 : index
      %get3A_862 = tpu.vector_load %arg6[%get3A_859, %get3A_860, %get3A_861] {strides = array<i32>} : memref<8x8x232xf32, #tpu.memory_space<vmem>>, vector<1x1x16xf32>,
      %get3A_863 = vector.shape_cast %get3A_862 : vector<1x1x16xf32> to vector<16xf32>
      %swap3A_864 = arith.constant 3 : i32
      %swap3A_865 = arith.index_cast %swap3A_864 : i32 to index
      %swap3A_866 = arith.constant 32 : index
      %swap3A_867 = tpu.vector_load %arg7[%swap3A_865, %swap3A_866] {strides = array<i32>} : memref<8x232xf32, #tpu.memory_space<vmem>>, vector<1x16xf32>,
      %swap3A_868 = vector.shape_cast %swap3A_867 : vector<1x16xf32> to vector<16xf32>
      %swap3A_869 = vector.shape_cast %get3A_863 : vector<16xf32> to vector<1x16xf32>
      tpu.vector_store %arg7[%swap3A_865, %swap3A_866], %swap3A_869 {strides = array<i32>} : memref<8x232xf32, #tpu.memory_space<vmem>>, vector<1x16xf32>,
      %get3A_870 = arith.constant 3 : i32
      %get3A_871 = arith.index_cast %get3A_870 : i32 to index
      %get3A_872 = arith.index_cast %and3A_833 : i32 to index
      %get3A_873 = arith.constant 48 : index
      %get3A_874 = tpu.vector_load %arg6[%get3A_871, %get3A_872, %get3A_873] {strides = array<i32>} : memref<8x8x232xf32, #tpu.memory_space<vmem>>, vector<1x1x16xf32>,
      %get3A_875 = vector.shape_cast %get3A_874 : vector<1x1x16xf32> to vector<16xf32>
      %swap3A_876 = arith.constant 3 : i32
      %swap3A_877 = arith.index_cast %swap3A_876 : i32 to index
      %swap3A_878 = arith.constant 48 : index
      %swap3A_879 = tpu.vector_load %arg7[%swap3A_877, %swap3A_878] {strides = array<i32>} : memref<8x232xf32, #tpu.memory_space<vmem>>, vector<1x16xf32>,
      %swap3A_880 = vector.shape_cast %swap3A_879 : vector<1x16xf32> to vector<16xf32>
      %swap3A_881 = vector.shape_cast %get3A_875 : vector<16xf32> to vector<1x16xf32>
      tpu.vector_store %arg7[%swap3A_877, %swap3A_878], %swap3A_881 {strides = array<i32>} : memref<8x232xf32, #tpu.memory_space<vmem>>, vector<1x16xf32>,
      %get3A_882 = arith.constant 3 : i32
      %get3A_883 = arith.index_cast %get3A_882 : i32 to index
      %get3A_884 = arith.index_cast %and3A_833 : i32 to index
      %get3A_885 = arith.constant 64 : index
      %get3A_886 = tpu.vector_load %arg6[%get3A_883, %get3A_884, %get3A_885] {strides = array<i32>} : memref<8x8x232xf32, #tpu.memory_space<vmem>>, vector<1x1x16xf32>,
      %get3A_887 = vector.shape_cast %get3A_886 : vector<1x1x16xf32> to vector<16xf32>
      %swap3A_888 = arith.constant 3 : i32
      %swap3A_889 = arith.index_cast %swap3A_888 : i32 to index
      %swap3A_890 = arith.constant 64 : index
      %swap3A_891 = tpu.vector_load %arg7[%swap3A_889, %swap3A_890] {strides = array<i32>} : memref<8x232xf32, #tpu.memory_space<vmem>>, vector<1x16xf32>,
      %swap3A_892 = vector.shape_cast %swap3A_891 : vector<1x16xf32> to vector<16xf32>
      %swap3A_893 = vector.shape_cast %get3A_887 : vector<16xf32> to vector<1x16xf32>
      tpu.vector_store %arg7[%swap3A_889, %swap3A_890], %swap3A_893 {strides = array<i32>} : memref<8x232xf32, #tpu.memory_space<vmem>>, vector<1x16xf32>,
      %get3A_894 = arith.constant 3 : i32
      %get3A_895 = arith.index_cast %get3A_894 : i32 to index
      %get3A_896 = arith.index_cast %and3A_833 : i32 to index
      %get3A_897 = arith.constant 80 : index
      %get3A_898 = tpu.vector_load %arg6[%get3A_895, %get3A_896, %get3A_897] {strides = array<i32>} : memref<8x8x232xf32, #tpu.memory_space<vmem>>, vector<1x1x16xf32>,
      %get3A_899 = vector.shape_cast %get3A_898 : vector<1x1x16xf32> to vector<16xf32>
      %swap3A_900 = arith.constant 3 : i32
      %swap3A_901 = arith.index_cast %swap3A_900 : i32 to index
      %swap3A_902 = arith.constant 80 : index
      %swap3A_903 = tpu.vector_load %arg7[%swap3A_901, %swap3A_902] {strides = array<i32>} : memref<8x232xf32, #tpu.memory_space<vmem>>, vector<1x16xf32>,
      %swap3A_904 = vector.shape_cast %swap3A_903 : vector<1x16xf32> to vector<16xf32>
      %swap3A_905 = vector.shape_cast %get3A_899 : vector<16xf32> to vector<1x16xf32>
      tpu.vector_store %arg7[%swap3A_901, %swap3A_902], %swap3A_905 {strides = array<i32>} : memref<8x232xf32, #tpu.memory_space<vmem>>, vector<1x16xf32>,
      %get3A_906 = arith.constant 3 : i32
      %get3A_907 = arith.index_cast %get3A_906 : i32 to index
      %get3A_908 = arith.index_cast %and3A_833 : i32 to index
      %get3A_909 = arith.constant 96 : index
      %get3A_910 = tpu.vector_load %arg6[%get3A_907, %get3A_908, %get3A_909] {strides = array<i32>} : memref<8x8x232xf32, #tpu.memory_space<vmem>>, vector<1x1x16xf32>,
      %get3A_911 = vector.shape_cast %get3A_910 : vector<1x1x16xf32> to vector<16xf32>
      %swap3A_912 = arith.constant 3 : i32
      %swap3A_913 = arith.index_cast %swap3A_912 : i32 to index
      %swap3A_914 = arith.constant 96 : index
      %swap3A_915 = tpu.vector_load %arg7[%swap3A_913, %swap3A_914] {strides = array<i32>} : memref<8x232xf32, #tpu.memory_space<vmem>>, vector<1x16xf32>,
      %swap3A_916 = vector.shape_cast %swap3A_915 : vector<1x16xf32> to vector<16xf32>
      %swap3A_917 = vector.shape_cast %get3A_911 : vector<16xf32> to vector<1x16xf32>
      tpu.vector_store %arg7[%swap3A_913, %swap3A_914], %swap3A_917 {strides = array<i32>} : memref<8x232xf32, #tpu.memory_space<vmem>>, vector<1x16xf32>,
      %get3A_918 = arith.constant 3 : i32
      %get3A_919 = arith.index_cast %get3A_918 : i32 to index
      %get3A_920 = arith.index_cast %and3A_833 : i32 to index
      %get3A_921 = arith.constant 112 : index
      %get3A_922 = tpu.vector_load %arg6[%get3A_919, %get3A_920, %get3A_921] {strides = array<i32>} : memref<8x8x232xf32, #tpu.memory_space<vmem>>, vector<1x1x16xf32>,
      %get3A_923 = vector.shape_cast %get3A_922 : vector<1x1x16xf32> to vector<16xf32>
      %swap3A_924 = arith.constant 3 : i32
      %swap3A_925 = arith.index_cast %swap3A_924 : i32 to index
      %swap3A_926 = arith.constant 112 : index
      %swap3A_927 = tpu.vector_load %arg7[%swap3A_925, %swap3A_926] {strides = array<i32>} : memref<8x232xf32, #tpu.memory_space<vmem>>, vector<1x16xf32>,
      %swap3A_928 = vector.shape_cast %swap3A_927 : vector<1x16xf32> to vector<16xf32>
      %swap3A_929 = vector.shape_cast %get3A_923 : vector<16xf32> to vector<1x16xf32>
      tpu.vector_store %arg7[%swap3A_925, %swap3A_926], %swap3A_929 {strides = array<i32>} : memref<8x232xf32, #tpu.memory_space<vmem>>, vector<1x16xf32>,
      %get3A_930 = arith.constant 3 : i32
      %get3A_931 = arith.index_cast %get3A_930 : i32 to index
      %get3A_932 = arith.index_cast %and3A_833 : i32 to index
      %get3A_933 = arith.constant 128 : index
      %get3A_934 = tpu.vector_load %arg6[%get3A_931, %get3A_932, %get3A_933] {strides = array<i32>} : memref<8x8x232xf32, #tpu.memory_space<vmem>>, vector<1x1x16xf32>,
      %get3A_935 = vector.shape_cast %get3A_934 : vector<1x1x16xf32> to vector<16xf32>
      %swap3A_936 = arith.constant 3 : i32
      %swap3A_937 = arith.index_cast %swap3A_936 : i32 to index
      %swap3A_938 = arith.constant 128 : index
      %swap3A_939 = tpu.vector_load %arg7[%swap3A_937, %swap3A_938] {strides = array<i32>} : memref<8x232xf32, #tpu.memory_space<vmem>>, vector<1x16xf32>,
      %swap3A_940 = vector.shape_cast %swap3A_939 : vector<1x16xf32> to vector<16xf32>
      %swap3A_941 = vector.shape_cast %get3A_935 : vector<16xf32> to vector<1x16xf32>
      tpu.vector_store %arg7[%swap3A_937, %swap3A_938], %swap3A_941 {strides = array<i32>} : memref<8x232xf32, #tpu.memory_space<vmem>>, vector<1x16xf32>,
      %get3A_942 = arith.constant 3 : i32
      %get3A_943 = arith.index_cast %get3A_942 : i32 to index
      %get3A_944 = arith.index_cast %and3A_833 : i32 to index
      %get3A_945 = arith.constant 144 : index
      %get3A_946 = tpu.vector_load %arg6[%get3A_943, %get3A_944, %get3A_945] {strides = array<i32>} : memref<8x8x232xf32, #tpu.memory_space<vmem>>, vector<1x1x16xf32>,
      %get3A_947 = vector.shape_cast %get3A_946 : vector<1x1x16xf32> to vector<16xf32>
      %swap3A_948 = arith.constant 3 : i32
      %swap3A_949 = arith.index_cast %swap3A_948 : i32 to index
      %swap3A_950 = arith.constant 144 : index
      %swap3A_951 = tpu.vector_load %arg7[%swap3A_949, %swap3A_950] {strides = array<i32>} : memref<8x232xf32, #tpu.memory_space<vmem>>, vector<1x16xf32>,
      %swap3A_952 = vector.shape_cast %swap3A_951 : vector<1x16xf32> to vector<16xf32>
      %swap3A_953 = vector.shape_cast %get3A_947 : vector<16xf32> to vector<1x16xf32>
      tpu.vector_store %arg7[%swap3A_949, %swap3A_950], %swap3A_953 {strides = array<i32>} : memref<8x232xf32, #tpu.memory_space<vmem>>, vector<1x16xf32>,
      %get3A_954 = arith.constant 3 : i32
      %get3A_955 = arith.index_cast %get3A_954 : i32 to index
      %get3A_956 = arith.index_cast %and3A_833 : i32 to index
      %get3A_957 = arith.constant 160 : index
      %get3A_958 = tpu.vector_load %arg6[%get3A_955, %get3A_956, %get3A_957] {strides = array<i32>} : memref<8x8x232xf32, #tpu.memory_space<vmem>>, vector<1x1x16xf32>,
      %get3A_959 = vector.shape_cast %get3A_958 : vector<1x1x16xf32> to vector<16xf32>
      %swap3A_960 = arith.constant 3 : i32
      %swap3A_961 = arith.index_cast %swap3A_960 : i32 to index
      %swap3A_962 = arith.constant 160 : index
      %swap3A_963 = tpu.vector_load %arg7[%swap3A_961, %swap3A_962] {strides = array<i32>} : memref<8x232xf32, #tpu.memory_space<vmem>>, vector<1x16xf32>,
      %swap3A_964 = vector.shape_cast %swap3A_963 : vector<1x16xf32> to vector<16xf32>
      %swap3A_965 = vector.shape_cast %get3A_959 : vector<16xf32> to vector<1x16xf32>
      tpu.vector_store %arg7[%swap3A_961, %swap3A_962], %swap3A_965 {strides = array<i32>} : memref<8x232xf32, #tpu.memory_space<vmem>>, vector<1x16xf32>,
      %get3A_966 = arith.constant 3 : i32
      %get3A_967 = arith.index_cast %get3A_966 : i32 to index
      %get3A_968 = arith.index_cast %and3A_833 : i32 to index
      %get3A_969 = arith.constant 176 : index
      %get3A_970 = tpu.vector_load %arg6[%get3A_967, %get3A_968, %get3A_969] {strides = array<i32>} : memref<8x8x232xf32, #tpu.memory_space<vmem>>, vector<1x1x16xf32>,
      %get3A_971 = vector.shape_cast %get3A_970 : vector<1x1x16xf32> to vector<16xf32>
      %swap3A_972 = arith.constant 3 : i32
      %swap3A_973 = arith.index_cast %swap3A_972 : i32 to index
      %swap3A_974 = arith.constant 176 : index
      %swap3A_975 = tpu.vector_load %arg7[%swap3A_973, %swap3A_974] {strides = array<i32>} : memref<8x232xf32, #tpu.memory_space<vmem>>, vector<1x16xf32>,
      %swap3A_976 = vector.shape_cast %swap3A_975 : vector<1x16xf32> to vector<16xf32>
      %swap3A_977 = vector.shape_cast %get3A_971 : vector<16xf32> to vector<1x16xf32>
      tpu.vector_store %arg7[%swap3A_973, %swap3A_974], %swap3A_977 {strides = array<i32>} : memref<8x232xf32, #tpu.memory_space<vmem>>, vector<1x16xf32>,
      %get3A_978 = arith.constant 3 : i32
      %get3A_979 = arith.index_cast %get3A_978 : i32 to index
      %get3A_980 = arith.index_cast %and3A_833 : i32 to index
      %get3A_981 = arith.constant 192 : index
      %get3A_982 = tpu.vector_load %arg6[%get3A_979, %get3A_980, %get3A_981] {strides = array<i32>} : memref<8x8x232xf32, #tpu.memory_space<vmem>>, vector<1x1x16xf32>,
      %get3A_983 = vector.shape_cast %get3A_982 : vector<1x1x16xf32> to vector<16xf32>
      %swap3A_984 = arith.constant 3 : i32
      %swap3A_985 = arith.index_cast %swap3A_984 : i32 to index
      %swap3A_986 = arith.constant 192 : index
      %swap3A_987 = tpu.vector_load %arg7[%swap3A_985, %swap3A_986] {strides = array<i32>} : memref<8x232xf32, #tpu.memory_space<vmem>>, vector<1x16xf32>,
      %swap3A_988 = vector.shape_cast %swap3A_987 : vector<1x16xf32> to vector<16xf32>
      %swap3A_989 = vector.shape_cast %get3A_983 : vector<16xf32> to vector<1x16xf32>
      tpu.vector_store %arg7[%swap3A_985, %swap3A_986], %swap3A_989 {strides = array<i32>} : memref<8x232xf32, #tpu.memory_space<vmem>>, vector<1x16xf32>,
      %get3A_990 = arith.constant 3 : i32
      %get3A_991 = arith.index_cast %get3A_990 : i32 to index
      %get3A_992 = arith.index_cast %and3A_833 : i32 to index
      %get3A_993 = arith.constant 208 : index
      %get3A_994 = tpu.vector_load %arg6[%get3A_991, %get3A_992, %get3A_993] {strides = array<i32>} : memref<8x8x232xf32, #tpu.memory_space<vmem>>, vector<1x1x16xf32>,
      %get3A_995 = vector.shape_cast %get3A_994 : vector<1x1x16xf32> to vector<16xf32>
      %swap3A_996 = arith.constant 3 : i32
      %swap3A_997 = arith.index_cast %swap3A_996 : i32 to index
      %swap3A_998 = arith.constant 208 : index
      %swap3A_999 = tpu.vector_load %arg7[%swap3A_997, %swap3A_998] {strides = array<i32>} : memref<8x232xf32, #tpu.memory_space<vmem>>, vector<1x16xf32>,
      %swap3A_1000 = vector.shape_cast %swap3A_999 : vector<1x16xf32> to vector<16xf32>
      %swap3A_1001 = vector.shape_cast %get3A_995 : vector<16xf32> to vector<1x16xf32>
      tpu.vector_store %arg7[%swap3A_997, %swap3A_998], %swap3A_1001 {strides = array<i32>} : memref<8x232xf32, #tpu.memory_space<vmem>>, vector<1x16xf32>,
      %get3A_1002 = arith.constant 3 : i32
      %get3A_1003 = arith.index_cast %get3A_1002 : i32 to index
      %get3A_1004 = arith.index_cast %and3A_833 : i32 to index
      %get3A_1005 = arith.constant 216 : index
      %get3A_1006 = tpu.vector_load %arg6[%get3A_1003, %get3A_1004, %get3A_1005] {strides = array<i32>} : memref<8x8x232xf32, #tpu.memory_space<vmem>>, vector<1x1x16xf32>,
      %get3A_1007 = vector.shape_cast %get3A_1006 : vector<1x1x16xf32> to vector<16xf32>
      %swap3A_1008 = arith.constant 3 : i32
      %swap3A_1009 = arith.index_cast %swap3A_1008 : i32 to index
      %swap3A_1010 = arith.constant 216 : index
      %swap3A_1011 = tpu.vector_load %arg7[%swap3A_1009, %swap3A_1010] {strides = array<i32>} : memref<8x232xf32, #tpu.memory_space<vmem>>, vector<1x16xf32>,
      %swap3A_1012 = vector.shape_cast %swap3A_1011 : vector<1x16xf32> to vector<16xf32>
      %swap3A_1013 = vector.shape_cast %get3A_1007 : vector<16xf32> to vector<1x16xf32>
      tpu.vector_store %arg7[%swap3A_1009, %swap3A_1010], %swap3A_1013 {strides = array<i32>} : memref<8x232xf32, #tpu.memory_space<vmem>>, vector<1x16xf32>,
      %slice3A_1014 = vector.extract_strided_slice %get3A_6 {offsets = [4], sizes = [1], strides = [1]} : vector<16xi32> to vector<1xi32>
      %squeeze3A_1015 = vector.extract %slice3A_1014[0] : i32 from vector<1xi32>
      %and3A_1016 = arith.constant 7 : i32
      %and3A_1017 = arith.andi %squeeze3A_1015, %and3A_1016 : i32
      %get3A_1018 = arith.constant 4 : i32
      %get3A_1019 = arith.index_cast %get3A_1018 : i32 to index
      %get3A_1020 = arith.index_cast %and3A_1017 : i32 to index
      %get3A_1021 = arith.constant 0 : index
      %get3A_1022 = tpu.vector_load %arg6[%get3A_1019, %get3A_1020, %get3A_1021] {strides = array<i32>} : memref<8x8x232xf32, #tpu.memory_space<vmem>>, vector<1x1x16xf32>,
      %get3A_1023 = vector.shape_cast %get3A_1022 : vector<1x1x16xf32> to vector<16xf32>
      %swap3A_1024 = arith.constant 4 : i32
      %swap3A_1025 = arith.index_cast %swap3A_1024 : i32 to index
      %swap3A_1026 = arith.constant 0 : index
      %swap3A_1027 = tpu.vector_load %arg7[%swap3A_1025, %swap3A_1026] {strides = array<i32>} : memref<8x232xf32, #tpu.memory_space<vmem>>, vector<1x16xf32>,
      %swap3A_1028 = vector.shape_cast %swap3A_1027 : vector<1x16xf32> to vector<16xf32>
      %swap3A_1029 = vector.shape_cast %get3A_1023 : vector<16xf32> to vector<1x16xf32>
      tpu.vector_store %arg7[%swap3A_1025, %swap3A_1026], %swap3A_1029 {strides = array<i32>} : memref<8x232xf32, #tpu.memory_space<vmem>>, vector<1x16xf32>,
      %get3A_1030 = arith.constant 4 : i32
      %get3A_1031 = arith.index_cast %get3A_1030 : i32 to index
      %get3A_1032 = arith.index_cast %and3A_1017 : i32 to index
      %get3A_1033 = arith.constant 16 : index
      %get3A_1034 = tpu.vector_load %arg6[%get3A_1031, %get3A_1032, %get3A_1033] {strides = array<i32>} : memref<8x8x232xf32, #tpu.memory_space<vmem>>, vector<1x1x16xf32>,
      %get3A_1035 = vector.shape_cast %get3A_1034 : vector<1x1x16xf32> to vector<16xf32>
      %swap3A_1036 = arith.constant 4 : i32
      %swap3A_1037 = arith.index_cast %swap3A_1036 : i32 to index
      %swap3A_1038 = arith.constant 16 : index
      %swap3A_1039 = tpu.vector_load %arg7[%swap3A_1037, %swap3A_1038] {strides = array<i32>} : memref<8x232xf32, #tpu.memory_space<vmem>>, vector<1x16xf32>,
      %swap3A_1040 = vector.shape_cast %swap3A_1039 : vector<1x16xf32> to vector<16xf32>
      %swap3A_1041 = vector.shape_cast %get3A_1035 : vector<16xf32> to vector<1x16xf32>
      tpu.vector_store %arg7[%swap3A_1037, %swap3A_1038], %swap3A_1041 {strides = array<i32>} : memref<8x232xf32, #tpu.memory_space<vmem>>, vector<1x16xf32>,
      %get3A_1042 = arith.constant 4 : i32
      %get3A_1043 = arith.index_cast %get3A_1042 : i32 to index
      %get3A_1044 = arith.index_cast %and3A_1017 : i32 to index
      %get3A_1045 = arith.constant 32 : index
      %get3A_1046 = tpu.vector_load %arg6[%get3A_1043, %get3A_1044, %get3A_1045] {strides = array<i32>} : memref<8x8x232xf32, #tpu.memory_space<vmem>>, vector<1x1x16xf32>,
      %get3A_1047 = vector.shape_cast %get3A_1046 : vector<1x1x16xf32> to vector<16xf32>
      %swap3A_1048 = arith.constant 4 : i32
      %swap3A_1049 = arith.index_cast %swap3A_1048 : i32 to index
      %swap3A_1050 = arith.constant 32 : index
      %swap3A_1051 = tpu.vector_load %arg7[%swap3A_1049, %swap3A_1050] {strides = array<i32>} : memref<8x232xf32, #tpu.memory_space<vmem>>, vector<1x16xf32>,
      %swap3A_1052 = vector.shape_cast %swap3A_1051 : vector<1x16xf32> to vector<16xf32>
      %swap3A_1053 = vector.shape_cast %get3A_1047 : vector<16xf32> to vector<1x16xf32>
      tpu.vector_store %arg7[%swap3A_1049, %swap3A_1050], %swap3A_1053 {strides = array<i32>} : memref<8x232xf32, #tpu.memory_space<vmem>>, vector<1x16xf32>,
      %get3A_1054 = arith.constant 4 : i32
      %get3A_1055 = arith.index_cast %get3A_1054 : i32 to index
      %get3A_1056 = arith.index_cast %and3A_1017 : i32 to index
      %get3A_1057 = arith.constant 48 : index
      %get3A_1058 = tpu.vector_load %arg6[%get3A_1055, %get3A_1056, %get3A_1057] {strides = array<i32>} : memref<8x8x232xf32, #tpu.memory_space<vmem>>, vector<1x1x16xf32>,
      %get3A_1059 = vector.shape_cast %get3A_1058 : vector<1x1x16xf32> to vector<16xf32>
      %swap3A_1060 = arith.constant 4 : i32
      %swap3A_1061 = arith.index_cast %swap3A_1060 : i32 to index
      %swap3A_1062 = arith.constant 48 : index
      %swap3A_1063 = tpu.vector_load %arg7[%swap3A_1061, %swap3A_1062] {strides = array<i32>} : memref<8x232xf32, #tpu.memory_space<vmem>>, vector<1x16xf32>,
      %swap3A_1064 = vector.shape_cast %swap3A_1063 : vector<1x16xf32> to vector<16xf32>
      %swap3A_1065 = vector.shape_cast %get3A_1059 : vector<16xf32> to vector<1x16xf32>
      tpu.vector_store %arg7[%swap3A_1061, %swap3A_1062], %swap3A_1065 {strides = array<i32>} : memref<8x232xf32, #tpu.memory_space<vmem>>, vector<1x16xf32>,
      %get3A_1066 = arith.constant 4 : i32
      %get3A_1067 = arith.index_cast %get3A_1066 : i32 to index
      %get3A_1068 = arith.index_cast %and3A_1017 : i32 to index
      %get3A_1069 = arith.constant 64 : index
      %get3A_1070 = tpu.vector_load %arg6[%get3A_1067, %get3A_1068, %get3A_1069] {strides = array<i32>} : memref<8x8x232xf32, #tpu.memory_space<vmem>>, vector<1x1x16xf32>,
      %get3A_1071 = vector.shape_cast %get3A_1070 : vector<1x1x16xf32> to vector<16xf32>
      %swap3A_1072 = arith.constant 4 : i32
      %swap3A_1073 = arith.index_cast %swap3A_1072 : i32 to index
      %swap3A_1074 = arith.constant 64 : index
      %swap3A_1075 = tpu.vector_load %arg7[%swap3A_1073, %swap3A_1074] {strides = array<i32>} : memref<8x232xf32, #tpu.memory_space<vmem>>, vector<1x16xf32>,
      %swap3A_1076 = vector.shape_cast %swap3A_1075 : vector<1x16xf32> to vector<16xf32>
      %swap3A_1077 = vector.shape_cast %get3A_1071 : vector<16xf32> to vector<1x16xf32>
      tpu.vector_store %arg7[%swap3A_1073, %swap3A_1074], %swap3A_1077 {strides = array<i32>} : memref<8x232xf32, #tpu.memory_space<vmem>>, vector<1x16xf32>,
      %get3A_1078 = arith.constant 4 : i32
      %get3A_1079 = arith.index_cast %get3A_1078 : i32 to index
      %get3A_1080 = arith.index_cast %and3A_1017 : i32 to index
      %get3A_1081 = arith.constant 80 : index
      %get3A_1082 = tpu.vector_load %arg6[%get3A_1079, %get3A_1080, %get3A_1081] {strides = array<i32>} : memref<8x8x232xf32, #tpu.memory_space<vmem>>, vector<1x1x16xf32>,
      %get3A_1083 = vector.shape_cast %get3A_1082 : vector<1x1x16xf32> to vector<16xf32>
      %swap3A_1084 = arith.constant 4 : i32
      %swap3A_1085 = arith.index_cast %swap3A_1084 : i32 to index
      %swap3A_1086 = arith.constant 80 : index
      %swap3A_1087 = tpu.vector_load %arg7[%swap3A_1085, %swap3A_1086] {strides = array<i32>} : memref<8x232xf32, #tpu.memory_space<vmem>>, vector<1x16xf32>,
      %swap3A_1088 = vector.shape_cast %swap3A_1087 : vector<1x16xf32> to vector<16xf32>
      %swap3A_1089 = vector.shape_cast %get3A_1083 : vector<16xf32> to vector<1x16xf32>
      tpu.vector_store %arg7[%swap3A_1085, %swap3A_1086], %swap3A_1089 {strides = array<i32>} : memref<8x232xf32, #tpu.memory_space<vmem>>, vector<1x16xf32>,
      %get3A_1090 = arith.constant 4 : i32
      %get3A_1091 = arith.index_cast %get3A_1090 : i32 to index
      %get3A_1092 = arith.index_cast %and3A_1017 : i32 to index
      %get3A_1093 = arith.constant 96 : index
      %get3A_1094 = tpu.vector_load %arg6[%get3A_1091, %get3A_1092, %get3A_1093] {strides = array<i32>} : memref<8x8x232xf32, #tpu.memory_space<vmem>>, vector<1x1x16xf32>,
      %get3A_1095 = vector.shape_cast %get3A_1094 : vector<1x1x16xf32> to vector<16xf32>
      %swap3A_1096 = arith.constant 4 : i32
      %swap3A_1097 = arith.index_cast %swap3A_1096 : i32 to index
      %swap3A_1098 = arith.constant 96 : index
      %swap3A_1099 = tpu.vector_load %arg7[%swap3A_1097, %swap3A_1098] {strides = array<i32>} : memref<8x232xf32, #tpu.memory_space<vmem>>, vector<1x16xf32>,
      %swap3A_1100 = vector.shape_cast %swap3A_1099 : vector<1x16xf32> to vector<16xf32>
      %swap3A_1101 = vector.shape_cast %get3A_1095 : vector<16xf32> to vector<1x16xf32>
      tpu.vector_store %arg7[%swap3A_1097, %swap3A_1098], %swap3A_1101 {strides = array<i32>} : memref<8x232xf32, #tpu.memory_space<vmem>>, vector<1x16xf32>,
      %get3A_1102 = arith.constant 4 : i32
      %get3A_1103 = arith.index_cast %get3A_1102 : i32 to index
      %get3A_1104 = arith.index_cast %and3A_1017 : i32 to index
      %get3A_1105 = arith.constant 112 : index
      %get3A_1106 = tpu.vector_load %arg6[%get3A_1103, %get3A_1104, %get3A_1105] {strides = array<i32>} : memref<8x8x232xf32, #tpu.memory_space<vmem>>, vector<1x1x16xf32>,
      %get3A_1107 = vector.shape_cast %get3A_1106 : vector<1x1x16xf32> to vector<16xf32>
      %swap3A_1108 = arith.constant 4 : i32
      %swap3A_1109 = arith.index_cast %swap3A_1108 : i32 to index
      %swap3A_1110 = arith.constant 112 : index
      %swap3A_1111 = tpu.vector_load %arg7[%swap3A_1109, %swap3A_1110] {strides = array<i32>} : memref<8x232xf32, #tpu.memory_space<vmem>>, vector<1x16xf32>,
      %swap3A_1112 = vector.shape_cast %swap3A_1111 : vector<1x16xf32> to vector<16xf32>
      %swap3A_1113 = vector.shape_cast %get3A_1107 : vector<16xf32> to vector<1x16xf32>
      tpu.vector_store %arg7[%swap3A_1109, %swap3A_1110], %swap3A_1113 {strides = array<i32>} : memref<8x232xf32, #tpu.memory_space<vmem>>, vector<1x16xf32>,
      %get3A_1114 = arith.constant 4 : i32
      %get3A_1115 = arith.index_cast %get3A_1114 : i32 to index
      %get3A_1116 = arith.index_cast %and3A_1017 : i32 to index
      %get3A_1117 = arith.constant 128 : index
      %get3A_1118 = tpu.vector_load %arg6[%get3A_1115, %get3A_1116, %get3A_1117] {strides = array<i32>} : memref<8x8x232xf32, #tpu.memory_space<vmem>>, vector<1x1x16xf32>,
      %get3A_1119 = vector.shape_cast %get3A_1118 : vector<1x1x16xf32> to vector<16xf32>
      %swap3A_1120 = arith.constant 4 : i32
      %swap3A_1121 = arith.index_cast %swap3A_1120 : i32 to index
      %swap3A_1122 = arith.constant 128 : index
      %swap3A_1123 = tpu.vector_load %arg7[%swap3A_1121, %swap3A_1122] {strides = array<i32>} : memref<8x232xf32, #tpu.memory_space<vmem>>, vector<1x16xf32>,
      %swap3A_1124 = vector.shape_cast %swap3A_1123 : vector<1x16xf32> to vector<16xf32>
      %swap3A_1125 = vector.shape_cast %get3A_1119 : vector<16xf32> to vector<1x16xf32>
      tpu.vector_store %arg7[%swap3A_1121, %swap3A_1122], %swap3A_1125 {strides = array<i32>} : memref<8x232xf32, #tpu.memory_space<vmem>>, vector<1x16xf32>,
      %get3A_1126 = arith.constant 4 : i32
      %get3A_1127 = arith.index_cast %get3A_1126 : i32 to index
      %get3A_1128 = arith.index_cast %and3A_1017 : i32 to index
      %get3A_1129 = arith.constant 144 : index
      %get3A_1130 = tpu.vector_load %arg6[%get3A_1127, %get3A_1128, %get3A_1129] {strides = array<i32>} : memref<8x8x232xf32, #tpu.memory_space<vmem>>, vector<1x1x16xf32>,
      %get3A_1131 = vector.shape_cast %get3A_1130 : vector<1x1x16xf32> to vector<16xf32>
      %swap3A_1132 = arith.constant 4 : i32
      %swap3A_1133 = arith.index_cast %swap3A_1132 : i32 to index
      %swap3A_1134 = arith.constant 144 : index
      %swap3A_1135 = tpu.vector_load %arg7[%swap3A_1133, %swap3A_1134] {strides = array<i32>} : memref<8x232xf32, #tpu.memory_space<vmem>>, vector<1x16xf32>,
      %swap3A_1136 = vector.shape_cast %swap3A_1135 : vector<1x16xf32> to vector<16xf32>
      %swap3A_1137 = vector.shape_cast %get3A_1131 : vector<16xf32> to vector<1x16xf32>
      tpu.vector_store %arg7[%swap3A_1133, %swap3A_1134], %swap3A_1137 {strides = array<i32>} : memref<8x232xf32, #tpu.memory_space<vmem>>, vector<1x16xf32>,
      %get3A_1138 = arith.constant 4 : i32
      %get3A_1139 = arith.index_cast %get3A_1138 : i32 to index
      %get3A_1140 = arith.index_cast %and3A_1017 : i32 to index
      %get3A_1141 = arith.constant 160 : index
      %get3A_1142 = tpu.vector_load %arg6[%get3A_1139, %get3A_1140, %get3A_1141] {strides = array<i32>} : memref<8x8x232xf32, #tpu.memory_space<vmem>>, vector<1x1x16xf32>,
      %get3A_1143 = vector.shape_cast %get3A_1142 : vector<1x1x16xf32> to vector<16xf32>
      %swap3A_1144 = arith.constant 4 : i32
      %swap3A_1145 = arith.index_cast %swap3A_1144 : i32 to index
      %swap3A_1146 = arith.constant 160 : index
      %swap3A_1147 = tpu.vector_load %arg7[%swap3A_1145, %swap3A_1146] {strides = array<i32>} : memref<8x232xf32, #tpu.memory_space<vmem>>, vector<1x16xf32>,
      %swap3A_1148 = vector.shape_cast %swap3A_1147 : vector<1x16xf32> to vector<16xf32>
      %swap3A_1149 = vector.shape_cast %get3A_1143 : vector<16xf32> to vector<1x16xf32>
      tpu.vector_store %arg7[%swap3A_1145, %swap3A_1146], %swap3A_1149 {strides = array<i32>} : memref<8x232xf32, #tpu.memory_space<vmem>>, vector<1x16xf32>,
      %get3A_1150 = arith.constant 4 : i32
      %get3A_1151 = arith.index_cast %get3A_1150 : i32 to index
      %get3A_1152 = arith.index_cast %and3A_1017 : i32 to index
      %get3A_1153 = arith.constant 176 : index
      %get3A_1154 = tpu.vector_load %arg6[%get3A_1151, %get3A_1152, %get3A_1153] {strides = array<i32>} : memref<8x8x232xf32, #tpu.memory_space<vmem>>, vector<1x1x16xf32>,
      %get3A_1155 = vector.shape_cast %get3A_1154 : vector<1x1x16xf32> to vector<16xf32>
      %swap3A_1156 = arith.constant 4 : i32
      %swap3A_1157 = arith.index_cast %swap3A_1156 : i32 to index
      %swap3A_1158 = arith.constant 176 : index
      %swap3A_1159 = tpu.vector_load %arg7[%swap3A_1157, %swap3A_1158] {strides = array<i32>} : memref<8x232xf32, #tpu.memory_space<vmem>>, vector<1x16xf32>,
      %swap3A_1160 = vector.shape_cast %swap3A_1159 : vector<1x16xf32> to vector<16xf32>
      %swap3A_1161 = vector.shape_cast %get3A_1155 : vector<16xf32> to vector<1x16xf32>
      tpu.vector_store %arg7[%swap3A_1157, %swap3A_1158], %swap3A_1161 {strides = array<i32>} : memref<8x232xf32, #tpu.memory_space<vmem>>, vector<1x16xf32>,
      %get3A_1162 = arith.constant 4 : i32
      %get3A_1163 = arith.index_cast %get3A_1162 : i32 to index
      %get3A_1164 = arith.index_cast %and3A_1017 : i32 to index
      %get3A_1165 = arith.constant 192 : index
      %get3A_1166 = tpu.vector_load %arg6[%get3A_1163, %get3A_1164, %get3A_1165] {strides = array<i32>} : memref<8x8x232xf32, #tpu.memory_space<vmem>>, vector<1x1x16xf32>,
      %get3A_1167 = vector.shape_cast %get3A_1166 : vector<1x1x16xf32> to vector<16xf32>
      %swap3A_1168 = arith.constant 4 : i32
      %swap3A_1169 = arith.index_cast %swap3A_1168 : i32 to index
      %swap3A_1170 = arith.constant 192 : index
      %swap3A_1171 = tpu.vector_load %arg7[%swap3A_1169, %swap3A_1170] {strides = array<i32>} : memref<8x232xf32, #tpu.memory_space<vmem>>, vector<1x16xf32>,
      %swap3A_1172 = vector.shape_cast %swap3A_1171 : vector<1x16xf32> to vector<16xf32>
      %swap3A_1173 = vector.shape_cast %get3A_1167 : vector<16xf32> to vector<1x16xf32>
      tpu.vector_store %arg7[%swap3A_1169, %swap3A_1170], %swap3A_1173 {strides = array<i32>} : memref<8x232xf32, #tpu.memory_space<vmem>>, vector<1x16xf32>,
      %get3A_1174 = arith.constant 4 : i32
      %get3A_1175 = arith.index_cast %get3A_1174 : i32 to index
      %get3A_1176 = arith.index_cast %and3A_1017 : i32 to index
      %get3A_1177 = arith.constant 208 : index
      %get3A_1178 = tpu.vector_load %arg6[%get3A_1175, %get3A_1176, %get3A_1177] {strides = array<i32>} : memref<8x8x232xf32, #tpu.memory_space<vmem>>, vector<1x1x16xf32>,
      %get3A_1179 = vector.shape_cast %get3A_1178 : vector<1x1x16xf32> to vector<16xf32>
      %swap3A_1180 = arith.constant 4 : i32
      %swap3A_1181 = arith.index_cast %swap3A_1180 : i32 to index
      %swap3A_1182 = arith.constant 208 : index
      %swap3A_1183 = tpu.vector_load %arg7[%swap3A_1181, %swap3A_1182] {strides = array<i32>} : memref<8x232xf32, #tpu.memory_space<vmem>>, vector<1x16xf32>,
      %swap3A_1184 = vector.shape_cast %swap3A_1183 : vector<1x16xf32> to vector<16xf32>
      %swap3A_1185 = vector.shape_cast %get3A_1179 : vector<16xf32> to vector<1x16xf32>
      tpu.vector_store %arg7[%swap3A_1181, %swap3A_1182], %swap3A_1185 {strides = array<i32>} : memref<8x232xf32, #tpu.memory_space<vmem>>, vector<1x16xf32>,
      %get3A_1186 = arith.constant 4 : i32
      %get3A_1187 = arith.index_cast %get3A_1186 : i32 to index
      %get3A_1188 = arith.index_cast %and3A_1017 : i32 to index
      %get3A_1189 = arith.constant 216 : index
      %get3A_1190 = tpu.vector_load %arg6[%get3A_1187, %get3A_1188, %get3A_1189] {strides = array<i32>} : memref<8x8x232xf32, #tpu.memory_space<vmem>>, vector<1x1x16xf32>,
      %get3A_1191 = vector.shape_cast %get3A_1190 : vector<1x1x16xf32> to vector<16xf32>
      %swap3A_1192 = arith.constant 4 : i32
      %swap3A_1193 = arith.index_cast %swap3A_1192 : i32 to index
      %swap3A_1194 = arith.constant 216 : index
      %swap3A_1195 = tpu.vector_load %arg7[%swap3A_1193, %swap3A_1194] {strides = array<i32>} : memref<8x232xf32, #tpu.memory_space<vmem>>, vector<1x16xf32>,
      %swap3A_1196 = vector.shape_cast %swap3A_1195 : vector<1x16xf32> to vector<16xf32>
      %swap3A_1197 = vector.shape_cast %get3A_1191 : vector<16xf32> to vector<1x16xf32>
      tpu.vector_store %arg7[%swap3A_1193, %swap3A_1194], %swap3A_1197 {strides = array<i32>} : memref<8x232xf32, #tpu.memory_space<vmem>>, vector<1x16xf32>,
      %slice3A_1198 = vector.extract_strided_slice %get3A_6 {offsets = [5], sizes = [1], strides = [1]} : vector<16xi32> to vector<1xi32>
      %squeeze3A_1199 = vector.extract %slice3A_1198[0] : i32 from vector<1xi32>
      %and3A_1200 = arith.constant 7 : i32
      %and3A_1201 = arith.andi %squeeze3A_1199, %and3A_1200 : i32
      %get3A_1202 = arith.constant 5 : i32
      %get3A_1203 = arith.index_cast %get3A_1202 : i32 to index
      %get3A_1204 = arith.index_cast %and3A_1201 : i32 to index
      %get3A_1205 = arith.constant 0 : index
      %get3A_1206 = tpu.vector_load %arg6[%get3A_1203, %get3A_1204, %get3A_1205] {strides = array<i32>} : memref<8x8x232xf32, #tpu.memory_space<vmem>>, vector<1x1x16xf32>,
      %get3A_1207 = vector.shape_cast %get3A_1206 : vector<1x1x16xf32> to vector<16xf32>
      %swap3A_1208 = arith.constant 5 : i32
      %swap3A_1209 = arith.index_cast %swap3A_1208 : i32 to index
      %swap3A_1210 = arith.constant 0 : index
      %swap3A_1211 = tpu.vector_load %arg7[%swap3A_1209, %swap3A_1210] {strides = array<i32>} : memref<8x232xf32, #tpu.memory_space<vmem>>, vector<1x16xf32>,
      %swap3A_1212 = vector.shape_cast %swap3A_1211 : vector<1x16xf32> to vector<16xf32>
      %swap3A_1213 = vector.shape_cast %get3A_1207 : vector<16xf32> to vector<1x16xf32>
      tpu.vector_store %arg7[%swap3A_1209, %swap3A_1210], %swap3A_1213 {strides = array<i32>} : memref<8x232xf32, #tpu.memory_space<vmem>>, vector<1x16xf32>,
      %get3A_1214 = arith.constant 5 : i32
      %get3A_1215 = arith.index_cast %get3A_1214 : i32 to index
      %get3A_1216 = arith.index_cast %and3A_1201 : i32 to index
      %get3A_1217 = arith.constant 16 : index
      %get3A_1218 = tpu.vector_load %arg6[%get3A_1215, %get3A_1216, %get3A_1217] {strides = array<i32>} : memref<8x8x232xf32, #tpu.memory_space<vmem>>, vector<1x1x16xf32>,
      %get3A_1219 = vector.shape_cast %get3A_1218 : vector<1x1x16xf32> to vector<16xf32>
      %swap3A_1220 = arith.constant 5 : i32
      %swap3A_1221 = arith.index_cast %swap3A_1220 : i32 to index
      %swap3A_1222 = arith.constant 16 : index
      %swap3A_1223 = tpu.vector_load %arg7[%swap3A_1221, %swap3A_1222] {strides = array<i32>} : memref<8x232xf32, #tpu.memory_space<vmem>>, vector<1x16xf32>,
      %swap3A_1224 = vector.shape_cast %swap3A_1223 : vector<1x16xf32> to vector<16xf32>
      %swap3A_1225 = vector.shape_cast %get3A_1219 : vector<16xf32> to vector<1x16xf32>
      tpu.vector_store %arg7[%swap3A_1221, %swap3A_1222], %swap3A_1225 {strides = array<i32>} : memref<8x232xf32, #tpu.memory_space<vmem>>, vector<1x16xf32>,
      %get3A_1226 = arith.constant 5 : i32
      %get3A_1227 = arith.index_cast %get3A_1226 : i32 to index
      %get3A_1228 = arith.index_cast %and3A_1201 : i32 to index
      %get3A_1229 = arith.constant 32 : index
      %get3A_1230 = tpu.vector_load %arg6[%get3A_1227, %get3A_1228, %get3A_1229] {strides = array<i32>} : memref<8x8x232xf32, #tpu.memory_space<vmem>>, vector<1x1x16xf32>,
      %get3A_1231 = vector.shape_cast %get3A_1230 : vector<1x1x16xf32> to vector<16xf32>
      %swap3A_1232 = arith.constant 5 : i32
      %swap3A_1233 = arith.index_cast %swap3A_1232 : i32 to index
      %swap3A_1234 = arith.constant 32 : index
      %swap3A_1235 = tpu.vector_load %arg7[%swap3A_1233, %swap3A_1234] {strides = array<i32>} : memref<8x232xf32, #tpu.memory_space<vmem>>, vector<1x16xf32>,
      %swap3A_1236 = vector.shape_cast %swap3A_1235 : vector<1x16xf32> to vector<16xf32>
      %swap3A_1237 = vector.shape_cast %get3A_1231 : vector<16xf32> to vector<1x16xf32>
      tpu.vector_store %arg7[%swap3A_1233, %swap3A_1234], %swap3A_1237 {strides = array<i32>} : memref<8x232xf32, #tpu.memory_space<vmem>>, vector<1x16xf32>,
      %get3A_1238 = arith.constant 5 : i32
      %get3A_1239 = arith.index_cast %get3A_1238 : i32 to index
      %get3A_1240 = arith.index_cast %and3A_1201 : i32 to index
      %get3A_1241 = arith.constant 48 : index
      %get3A_1242 = tpu.vector_load %arg6[%get3A_1239, %get3A_1240, %get3A_1241] {strides = array<i32>} : memref<8x8x232xf32, #tpu.memory_space<vmem>>, vector<1x1x16xf32>,
      %get3A_1243 = vector.shape_cast %get3A_1242 : vector<1x1x16xf32> to vector<16xf32>
      %swap3A_1244 = arith.constant 5 : i32
      %swap3A_1245 = arith.index_cast %swap3A_1244 : i32 to index
      %swap3A_1246 = arith.constant 48 : index
      %swap3A_1247 = tpu.vector_load %arg7[%swap3A_1245, %swap3A_1246] {strides = array<i32>} : memref<8x232xf32, #tpu.memory_space<vmem>>, vector<1x16xf32>,
      %swap3A_1248 = vector.shape_cast %swap3A_1247 : vector<1x16xf32> to vector<16xf32>
      %swap3A_1249 = vector.shape_cast %get3A_1243 : vector<16xf32> to vector<1x16xf32>
      tpu.vector_store %arg7[%swap3A_1245, %swap3A_1246], %swap3A_1249 {strides = array<i32>} : memref<8x232xf32, #tpu.memory_space<vmem>>, vector<1x16xf32>,
      %get3A_1250 = arith.constant 5 : i32
      %get3A_1251 = arith.index_cast %get3A_1250 : i32 to index
      %get3A_1252 = arith.index_cast %and3A_1201 : i32 to index
      %get3A_1253 = arith.constant 64 : index
      %get3A_1254 = tpu.vector_load %arg6[%get3A_1251, %get3A_1252, %get3A_1253] {strides = array<i32>} : memref<8x8x232xf32, #tpu.memory_space<vmem>>, vector<1x1x16xf32>,
      %get3A_1255 = vector.shape_cast %get3A_1254 : vector<1x1x16xf32> to vector<16xf32>
      %swap3A_1256 = arith.constant 5 : i32
      %swap3A_1257 = arith.index_cast %swap3A_1256 : i32 to index
      %swap3A_1258 = arith.constant 64 : index
      %swap3A_1259 = tpu.vector_load %arg7[%swap3A_1257, %swap3A_1258] {strides = array<i32>} : memref<8x232xf32, #tpu.memory_space<vmem>>, vector<1x16xf32>,
      %swap3A_1260 = vector.shape_cast %swap3A_1259 : vector<1x16xf32> to vector<16xf32>
      %swap3A_1261 = vector.shape_cast %get3A_1255 : vector<16xf32> to vector<1x16xf32>
      tpu.vector_store %arg7[%swap3A_1257, %swap3A_1258], %swap3A_1261 {strides = array<i32>} : memref<8x232xf32, #tpu.memory_space<vmem>>, vector<1x16xf32>,
      %get3A_1262 = arith.constant 5 : i32
      %get3A_1263 = arith.index_cast %get3A_1262 : i32 to index
      %get3A_1264 = arith.index_cast %and3A_1201 : i32 to index
      %get3A_1265 = arith.constant 80 : index
      %get3A_1266 = tpu.vector_load %arg6[%get3A_1263, %get3A_1264, %get3A_1265] {strides = array<i32>} : memref<8x8x232xf32, #tpu.memory_space<vmem>>, vector<1x1x16xf32>,
      %get3A_1267 = vector.shape_cast %get3A_1266 : vector<1x1x16xf32> to vector<16xf32>
      %swap3A_1268 = arith.constant 5 : i32
      %swap3A_1269 = arith.index_cast %swap3A_1268 : i32 to index
      %swap3A_1270 = arith.constant 80 : index
      %swap3A_1271 = tpu.vector_load %arg7[%swap3A_1269, %swap3A_1270] {strides = array<i32>} : memref<8x232xf32, #tpu.memory_space<vmem>>, vector<1x16xf32>,
      %swap3A_1272 = vector.shape_cast %swap3A_1271 : vector<1x16xf32> to vector<16xf32>
      %swap3A_1273 = vector.shape_cast %get3A_1267 : vector<16xf32> to vector<1x16xf32>
      tpu.vector_store %arg7[%swap3A_1269, %swap3A_1270], %swap3A_1273 {strides = array<i32>} : memref<8x232xf32, #tpu.memory_space<vmem>>, vector<1x16xf32>,
      %get3A_1274 = arith.constant 5 : i32
      %get3A_1275 = arith.index_cast %get3A_1274 : i32 to index
      %get3A_1276 = arith.index_cast %and3A_1201 : i32 to index
      %get3A_1277 = arith.constant 96 : index
      %get3A_1278 = tpu.vector_load %arg6[%get3A_1275, %get3A_1276, %get3A_1277] {strides = array<i32>} : memref<8x8x232xf32, #tpu.memory_space<vmem>>, vector<1x1x16xf32>,
      %get3A_1279 = vector.shape_cast %get3A_1278 : vector<1x1x16xf32> to vector<16xf32>
      %swap3A_1280 = arith.constant 5 : i32
      %swap3A_1281 = arith.index_cast %swap3A_1280 : i32 to index
      %swap3A_1282 = arith.constant 96 : index
      %swap3A_1283 = tpu.vector_load %arg7[%swap3A_1281, %swap3A_1282] {strides = array<i32>} : memref<8x232xf32, #tpu.memory_space<vmem>>, vector<1x16xf32>,
      %swap3A_1284 = vector.shape_cast %swap3A_1283 : vector<1x16xf32> to vector<16xf32>
      %swap3A_1285 = vector.shape_cast %get3A_1279 : vector<16xf32> to vector<1x16xf32>
      tpu.vector_store %arg7[%swap3A_1281, %swap3A_1282], %swap3A_1285 {strides = array<i32>} : memref<8x232xf32, #tpu.memory_space<vmem>>, vector<1x16xf32>,
      %get3A_1286 = arith.constant 5 : i32
      %get3A_1287 = arith.index_cast %get3A_1286 : i32 to index
      %get3A_1288 = arith.index_cast %and3A_1201 : i32 to index
      %get3A_1289 = arith.constant 112 : index
      %get3A_1290 = tpu.vector_load %arg6[%get3A_1287, %get3A_1288, %get3A_1289] {strides = array<i32>} : memref<8x8x232xf32, #tpu.memory_space<vmem>>, vector<1x1x16xf32>,
      %get3A_1291 = vector.shape_cast %get3A_1290 : vector<1x1x16xf32> to vector<16xf32>
      %swap3A_1292 = arith.constant 5 : i32
      %swap3A_1293 = arith.index_cast %swap3A_1292 : i32 to index
      %swap3A_1294 = arith.constant 112 : index
      %swap3A_1295 = tpu.vector_load %arg7[%swap3A_1293, %swap3A_1294] {strides = array<i32>} : memref<8x232xf32, #tpu.memory_space<vmem>>, vector<1x16xf32>,
      %swap3A_1296 = vector.shape_cast %swap3A_1295 : vector<1x16xf32> to vector<16xf32>
      %swap3A_1297 = vector.shape_cast %get3A_1291 : vector<16xf32> to vector<1x16xf32>
      tpu.vector_store %arg7[%swap3A_1293, %swap3A_1294], %swap3A_1297 {strides = array<i32>} : memref<8x232xf32, #tpu.memory_space<vmem>>, vector<1x16xf32>,
      %get3A_1298 = arith.constant 5 : i32
      %get3A_1299 = arith.index_cast %get3A_1298 : i32 to index
      %get3A_1300 = arith.index_cast %and3A_1201 : i32 to index
      %get3A_1301 = arith.constant 128 : index
      %get3A_1302 = tpu.vector_load %arg6[%get3A_1299, %get3A_1300, %get3A_1301] {strides = array<i32>} : memref<8x8x232xf32, #tpu.memory_space<vmem>>, vector<1x1x16xf32>,
      %get3A_1303 = vector.shape_cast %get3A_1302 : vector<1x1x16xf32> to vector<16xf32>
      %swap3A_1304 = arith.constant 5 : i32
      %swap3A_1305 = arith.index_cast %swap3A_1304 : i32 to index
      %swap3A_1306 = arith.constant 128 : index
      %swap3A_1307 = tpu.vector_load %arg7[%swap3A_1305, %swap3A_1306] {strides = array<i32>} : memref<8x232xf32, #tpu.memory_space<vmem>>, vector<1x16xf32>,
      %swap3A_1308 = vector.shape_cast %swap3A_1307 : vector<1x16xf32> to vector<16xf32>
      %swap3A_1309 = vector.shape_cast %get3A_1303 : vector<16xf32> to vector<1x16xf32>
      tpu.vector_store %arg7[%swap3A_1305, %swap3A_1306], %swap3A_1309 {strides = array<i32>} : memref<8x232xf32, #tpu.memory_space<vmem>>, vector<1x16xf32>,
      %get3A_1310 = arith.constant 5 : i32
      %get3A_1311 = arith.index_cast %get3A_1310 : i32 to index
      %get3A_1312 = arith.index_cast %and3A_1201 : i32 to index
      %get3A_1313 = arith.constant 144 : index
      %get3A_1314 = tpu.vector_load %arg6[%get3A_1311, %get3A_1312, %get3A_1313] {strides = array<i32>} : memref<8x8x232xf32, #tpu.memory_space<vmem>>, vector<1x1x16xf32>,
      %get3A_1315 = vector.shape_cast %get3A_1314 : vector<1x1x16xf32> to vector<16xf32>
      %swap3A_1316 = arith.constant 5 : i32
      %swap3A_1317 = arith.index_cast %swap3A_1316 : i32 to index
      %swap3A_1318 = arith.constant 144 : index
      %swap3A_1319 = tpu.vector_load %arg7[%swap3A_1317, %swap3A_1318] {strides = array<i32>} : memref<8x232xf32, #tpu.memory_space<vmem>>, vector<1x16xf32>,
      %swap3A_1320 = vector.shape_cast %swap3A_1319 : vector<1x16xf32> to vector<16xf32>
      %swap3A_1321 = vector.shape_cast %get3A_1315 : vector<16xf32> to vector<1x16xf32>
      tpu.vector_store %arg7[%swap3A_1317, %swap3A_1318], %swap3A_1321 {strides = array<i32>} : memref<8x232xf32, #tpu.memory_space<vmem>>, vector<1x16xf32>,
      %get3A_1322 = arith.constant 5 : i32
      %get3A_1323 = arith.index_cast %get3A_1322 : i32 to index
      %get3A_1324 = arith.index_cast %and3A_1201 : i32 to index
      %get3A_1325 = arith.constant 160 : index
      %get3A_1326 = tpu.vector_load %arg6[%get3A_1323, %get3A_1324, %get3A_1325] {strides = array<i32>} : memref<8x8x232xf32, #tpu.memory_space<vmem>>, vector<1x1x16xf32>,
      %get3A_1327 = vector.shape_cast %get3A_1326 : vector<1x1x16xf32> to vector<16xf32>
      %swap3A_1328 = arith.constant 5 : i32
      %swap3A_1329 = arith.index_cast %swap3A_1328 : i32 to index
      %swap3A_1330 = arith.constant 160 : index
      %swap3A_1331 = tpu.vector_load %arg7[%swap3A_1329, %swap3A_1330] {strides = array<i32>} : memref<8x232xf32, #tpu.memory_space<vmem>>, vector<1x16xf32>,
      %swap3A_1332 = vector.shape_cast %swap3A_1331 : vector<1x16xf32> to vector<16xf32>
      %swap3A_1333 = vector.shape_cast %get3A_1327 : vector<16xf32> to vector<1x16xf32>
      tpu.vector_store %arg7[%swap3A_1329, %swap3A_1330], %swap3A_1333 {strides = array<i32>} : memref<8x232xf32, #tpu.memory_space<vmem>>, vector<1x16xf32>,
      %get3A_1334 = arith.constant 5 : i32
      %get3A_1335 = arith.index_cast %get3A_1334 : i32 to index
      %get3A_1336 = arith.index_cast %and3A_1201 : i32 to index
      %get3A_1337 = arith.constant 176 : index
      %get3A_1338 = tpu.vector_load %arg6[%get3A_1335, %get3A_1336, %get3A_1337] {strides = array<i32>} : memref<8x8x232xf32, #tpu.memory_space<vmem>>, vector<1x1x16xf32>,
      %get3A_1339 = vector.shape_cast %get3A_1338 : vector<1x1x16xf32> to vector<16xf32>
      %swap3A_1340 = arith.constant 5 : i32
      %swap3A_1341 = arith.index_cast %swap3A_1340 : i32 to index
      %swap3A_1342 = arith.constant 176 : index
      %swap3A_1343 = tpu.vector_load %arg7[%swap3A_1341, %swap3A_1342] {strides = array<i32>} : memref<8x232xf32, #tpu.memory_space<vmem>>, vector<1x16xf32>,
      %swap3A_1344 = vector.shape_cast %swap3A_1343 : vector<1x16xf32> to vector<16xf32>
      %swap3A_1345 = vector.shape_cast %get3A_1339 : vector<16xf32> to vector<1x16xf32>
      tpu.vector_store %arg7[%swap3A_1341, %swap3A_1342], %swap3A_1345 {strides = array<i32>} : memref<8x232xf32, #tpu.memory_space<vmem>>, vector<1x16xf32>,
      %get3A_1346 = arith.constant 5 : i32
      %get3A_1347 = arith.index_cast %get3A_1346 : i32 to index
      %get3A_1348 = arith.index_cast %and3A_1201 : i32 to index
      %get3A_1349 = arith.constant 192 : index
      %get3A_1350 = tpu.vector_load %arg6[%get3A_1347, %get3A_1348, %get3A_1349] {strides = array<i32>} : memref<8x8x232xf32, #tpu.memory_space<vmem>>, vector<1x1x16xf32>,
      %get3A_1351 = vector.shape_cast %get3A_1350 : vector<1x1x16xf32> to vector<16xf32>
      %swap3A_1352 = arith.constant 5 : i32
      %swap3A_1353 = arith.index_cast %swap3A_1352 : i32 to index
      %swap3A_1354 = arith.constant 192 : index
      %swap3A_1355 = tpu.vector_load %arg7[%swap3A_1353, %swap3A_1354] {strides = array<i32>} : memref<8x232xf32, #tpu.memory_space<vmem>>, vector<1x16xf32>,
      %swap3A_1356 = vector.shape_cast %swap3A_1355 : vector<1x16xf32> to vector<16xf32>
      %swap3A_1357 = vector.shape_cast %get3A_1351 : vector<16xf32> to vector<1x16xf32>
      tpu.vector_store %arg7[%swap3A_1353, %swap3A_1354], %swap3A_1357 {strides = array<i32>} : memref<8x232xf32, #tpu.memory_space<vmem>>, vector<1x16xf32>,
      %get3A_1358 = arith.constant 5 : i32
      %get3A_1359 = arith.index_cast %get3A_1358 : i32 to index
      %get3A_1360 = arith.index_cast %and3A_1201 : i32 to index
      %get3A_1361 = arith.constant 208 : index
      %get3A_1362 = tpu.vector_load %arg6[%get3A_1359, %get3A_1360, %get3A_1361] {strides = array<i32>} : memref<8x8x232xf32, #tpu.memory_space<vmem>>, vector<1x1x16xf32>,
      %get3A_1363 = vector.shape_cast %get3A_1362 : vector<1x1x16xf32> to vector<16xf32>
      %swap3A_1364 = arith.constant 5 : i32
      %swap3A_1365 = arith.index_cast %swap3A_1364 : i32 to index
      %swap3A_1366 = arith.constant 208 : index
      %swap3A_1367 = tpu.vector_load %arg7[%swap3A_1365, %swap3A_1366] {strides = array<i32>} : memref<8x232xf32, #tpu.memory_space<vmem>>, vector<1x16xf32>,
      %swap3A_1368 = vector.shape_cast %swap3A_1367 : vector<1x16xf32> to vector<16xf32>
      %swap3A_1369 = vector.shape_cast %get3A_1363 : vector<16xf32> to vector<1x16xf32>
      tpu.vector_store %arg7[%swap3A_1365, %swap3A_1366], %swap3A_1369 {strides = array<i32>} : memref<8x232xf32, #tpu.memory_space<vmem>>, vector<1x16xf32>,
      %get3A_1370 = arith.constant 5 : i32
      %get3A_1371 = arith.index_cast %get3A_1370 : i32 to index
      %get3A_1372 = arith.index_cast %and3A_1201 : i32 to index
      %get3A_1373 = arith.constant 216 : index
      %get3A_1374 = tpu.vector_load %arg6[%get3A_1371, %get3A_1372, %get3A_1373] {strides = array<i32>} : memref<8x8x232xf32, #tpu.memory_space<vmem>>, vector<1x1x16xf32>,
      %get3A_1375 = vector.shape_cast %get3A_1374 : vector<1x1x16xf32> to vector<16xf32>
      %swap3A_1376 = arith.constant 5 : i32
      %swap3A_1377 = arith.index_cast %swap3A_1376 : i32 to index
      %swap3A_1378 = arith.constant 216 : index
      %swap3A_1379 = tpu.vector_load %arg7[%swap3A_1377, %swap3A_1378] {strides = array<i32>} : memref<8x232xf32, #tpu.memory_space<vmem>>, vector<1x16xf32>,
      %swap3A_1380 = vector.shape_cast %swap3A_1379 : vector<1x16xf32> to vector<16xf32>
      %swap3A_1381 = vector.shape_cast %get3A_1375 : vector<16xf32> to vector<1x16xf32>
      tpu.vector_store %arg7[%swap3A_1377, %swap3A_1378], %swap3A_1381 {strides = array<i32>} : memref<8x232xf32, #tpu.memory_space<vmem>>, vector<1x16xf32>,
      %slice3A_1382 = vector.extract_strided_slice %get3A_6 {offsets = [6], sizes = [1], strides = [1]} : vector<16xi32> to vector<1xi32>
      %squeeze3A_1383 = vector.extract %slice3A_1382[0] : i32 from vector<1xi32>
      %and3A_1384 = arith.constant 7 : i32
      %and3A_1385 = arith.andi %squeeze3A_1383, %and3A_1384 : i32
      %get3A_1386 = arith.constant 6 : i32
      %get3A_1387 = arith.index_cast %get3A_1386 : i32 to index
      %get3A_1388 = arith.index_cast %and3A_1385 : i32 to index
      %get3A_1389 = arith.constant 0 : index
      %get3A_1390 = tpu.vector_load %arg6[%get3A_1387, %get3A_1388, %get3A_1389] {strides = array<i32>} : memref<8x8x232xf32, #tpu.memory_space<vmem>>, vector<1x1x16xf32>,
      %get3A_1391 = vector.shape_cast %get3A_1390 : vector<1x1x16xf32> to vector<16xf32>
      %swap3A_1392 = arith.constant 6 : i32
      %swap3A_1393 = arith.index_cast %swap3A_1392 : i32 to index
      %swap3A_1394 = arith.constant 0 : index
      %swap3A_1395 = tpu.vector_load %arg7[%swap3A_1393, %swap3A_1394] {strides = array<i32>} : memref<8x232xf32, #tpu.memory_space<vmem>>, vector<1x16xf32>,
      %swap3A_1396 = vector.shape_cast %swap3A_1395 : vector<1x16xf32> to vector<16xf32>
      %swap3A_1397 = vector.shape_cast %get3A_1391 : vector<16xf32> to vector<1x16xf32>
      tpu.vector_store %arg7[%swap3A_1393, %swap3A_1394], %swap3A_1397 {strides = array<i32>} : memref<8x232xf32, #tpu.memory_space<vmem>>, vector<1x16xf32>,
      %get3A_1398 = arith.constant 6 : i32
      %get3A_1399 = arith.index_cast %get3A_1398 : i32 to index
      %get3A_1400 = arith.index_cast %and3A_1385 : i32 to index
      %get3A_1401 = arith.constant 16 : index
      %get3A_1402 = tpu.vector_load %arg6[%get3A_1399, %get3A_1400, %get3A_1401] {strides = array<i32>} : memref<8x8x232xf32, #tpu.memory_space<vmem>>, vector<1x1x16xf32>,
      %get3A_1403 = vector.shape_cast %get3A_1402 : vector<1x1x16xf32> to vector<16xf32>
      %swap3A_1404 = arith.constant 6 : i32
      %swap3A_1405 = arith.index_cast %swap3A_1404 : i32 to index
      %swap3A_1406 = arith.constant 16 : index
      %swap3A_1407 = tpu.vector_load %arg7[%swap3A_1405, %swap3A_1406] {strides = array<i32>} : memref<8x232xf32, #tpu.memory_space<vmem>>, vector<1x16xf32>,
      %swap3A_1408 = vector.shape_cast %swap3A_1407 : vector<1x16xf32> to vector<16xf32>
      %swap3A_1409 = vector.shape_cast %get3A_1403 : vector<16xf32> to vector<1x16xf32>
      tpu.vector_store %arg7[%swap3A_1405, %swap3A_1406], %swap3A_1409 {strides = array<i32>} : memref<8x232xf32, #tpu.memory_space<vmem>>, vector<1x16xf32>,
      %get3A_1410 = arith.constant 6 : i32
      %get3A_1411 = arith.index_cast %get3A_1410 : i32 to index
      %get3A_1412 = arith.index_cast %and3A_1385 : i32 to index
      %get3A_1413 = arith.constant 32 : index
      %get3A_1414 = tpu.vector_load %arg6[%get3A_1411, %get3A_1412, %get3A_1413] {strides = array<i32>} : memref<8x8x232xf32, #tpu.memory_space<vmem>>, vector<1x1x16xf32>,
      %get3A_1415 = vector.shape_cast %get3A_1414 : vector<1x1x16xf32> to vector<16xf32>
      %swap3A_1416 = arith.constant 6 : i32
      %swap3A_1417 = arith.index_cast %swap3A_1416 : i32 to index
      %swap3A_1418 = arith.constant 32 : index
      %swap3A_1419 = tpu.vector_load %arg7[%swap3A_1417, %swap3A_1418] {strides = array<i32>} : memref<8x232xf32, #tpu.memory_space<vmem>>, vector<1x16xf32>,
      %swap3A_1420 = vector.shape_cast %swap3A_1419 : vector<1x16xf32> to vector<16xf32>
      %swap3A_1421 = vector.shape_cast %get3A_1415 : vector<16xf32> to vector<1x16xf32>
      tpu.vector_store %arg7[%swap3A_1417, %swap3A_1418], %swap3A_1421 {strides = array<i32>} : memref<8x232xf32, #tpu.memory_space<vmem>>, vector<1x16xf32>,
      %get3A_1422 = arith.constant 6 : i32
      %get3A_1423 = arith.index_cast %get3A_1422 : i32 to index
      %get3A_1424 = arith.index_cast %and3A_1385 : i32 to index
      %get3A_1425 = arith.constant 48 : index
      %get3A_1426 = tpu.vector_load %arg6[%get3A_1423, %get3A_1424, %get3A_1425] {strides = array<i32>} : memref<8x8x232xf32, #tpu.memory_space<vmem>>, vector<1x1x16xf32>,
      %get3A_1427 = vector.shape_cast %get3A_1426 : vector<1x1x16xf32> to vector<16xf32>
      %swap3A_1428 = arith.constant 6 : i32
      %swap3A_1429 = arith.index_cast %swap3A_1428 : i32 to index
      %swap3A_1430 = arith.constant 48 : index
      %swap3A_1431 = tpu.vector_load %arg7[%swap3A_1429, %swap3A_1430] {strides = array<i32>} : memref<8x232xf32, #tpu.memory_space<vmem>>, vector<1x16xf32>,
      %swap3A_1432 = vector.shape_cast %swap3A_1431 : vector<1x16xf32> to vector<16xf32>
      %swap3A_1433 = vector.shape_cast %get3A_1427 : vector<16xf32> to vector<1x16xf32>
      tpu.vector_store %arg7[%swap3A_1429, %swap3A_1430], %swap3A_1433 {strides = array<i32>} : memref<8x232xf32, #tpu.memory_space<vmem>>, vector<1x16xf32>,
      %get3A_1434 = arith.constant 6 : i32
      %get3A_1435 = arith.index_cast %get3A_1434 : i32 to index
      %get3A_1436 = arith.index_cast %and3A_1385 : i32 to index
      %get3A_1437 = arith.constant 64 : index
      %get3A_1438 = tpu.vector_load %arg6[%get3A_1435, %get3A_1436, %get3A_1437] {strides = array<i32>} : memref<8x8x232xf32, #tpu.memory_space<vmem>>, vector<1x1x16xf32>,
      %get3A_1439 = vector.shape_cast %get3A_1438 : vector<1x1x16xf32> to vector<16xf32>
      %swap3A_1440 = arith.constant 6 : i32
      %swap3A_1441 = arith.index_cast %swap3A_1440 : i32 to index
      %swap3A_1442 = arith.constant 64 : index
      %swap3A_1443 = tpu.vector_load %arg7[%swap3A_1441, %swap3A_1442] {strides = array<i32>} : memref<8x232xf32, #tpu.memory_space<vmem>>, vector<1x16xf32>,
      %swap3A_1444 = vector.shape_cast %swap3A_1443 : vector<1x16xf32> to vector<16xf32>
      %swap3A_1445 = vector.shape_cast %get3A_1439 : vector<16xf32> to vector<1x16xf32>
      tpu.vector_store %arg7[%swap3A_1441, %swap3A_1442], %swap3A_1445 {strides = array<i32>} : memref<8x232xf32, #tpu.memory_space<vmem>>, vector<1x16xf32>,
      %get3A_1446 = arith.constant 6 : i32
      %get3A_1447 = arith.index_cast %get3A_1446 : i32 to index
      %get3A_1448 = arith.index_cast %and3A_1385 : i32 to index
      %get3A_1449 = arith.constant 80 : index
      %get3A_1450 = tpu.vector_load %arg6[%get3A_1447, %get3A_1448, %get3A_1449] {strides = array<i32>} : memref<8x8x232xf32, #tpu.memory_space<vmem>>, vector<1x1x16xf32>,
      %get3A_1451 = vector.shape_cast %get3A_1450 : vector<1x1x16xf32> to vector<16xf32>
      %swap3A_1452 = arith.constant 6 : i32
      %swap3A_1453 = arith.index_cast %swap3A_1452 : i32 to index
      %swap3A_1454 = arith.constant 80 : index
      %swap3A_1455 = tpu.vector_load %arg7[%swap3A_1453, %swap3A_1454] {strides = array<i32>} : memref<8x232xf32, #tpu.memory_space<vmem>>, vector<1x16xf32>,
      %swap3A_1456 = vector.shape_cast %swap3A_1455 : vector<1x16xf32> to vector<16xf32>
      %swap3A_1457 = vector.shape_cast %get3A_1451 : vector<16xf32> to vector<1x16xf32>
      tpu.vector_store %arg7[%swap3A_1453, %swap3A_1454], %swap3A_1457 {strides = array<i32>} : memref<8x232xf32, #tpu.memory_space<vmem>>, vector<1x16xf32>,
      %get3A_1458 = arith.constant 6 : i32
      %get3A_1459 = arith.index_cast %get3A_1458 : i32 to index
      %get3A_1460 = arith.index_cast %and3A_1385 : i32 to index
      %get3A_1461 = arith.constant 96 : index
      %get3A_1462 = tpu.vector_load %arg6[%get3A_1459, %get3A_1460, %get3A_1461] {strides = array<i32>} : memref<8x8x232xf32, #tpu.memory_space<vmem>>, vector<1x1x16xf32>,
      %get3A_1463 = vector.shape_cast %get3A_1462 : vector<1x1x16xf32> to vector<16xf32>
      %swap3A_1464 = arith.constant 6 : i32
      %swap3A_1465 = arith.index_cast %swap3A_1464 : i32 to index
      %swap3A_1466 = arith.constant 96 : index
      %swap3A_1467 = tpu.vector_load %arg7[%swap3A_1465, %swap3A_1466] {strides = array<i32>} : memref<8x232xf32, #tpu.memory_space<vmem>>, vector<1x16xf32>,
      %swap3A_1468 = vector.shape_cast %swap3A_1467 : vector<1x16xf32> to vector<16xf32>
      %swap3A_1469 = vector.shape_cast %get3A_1463 : vector<16xf32> to vector<1x16xf32>
      tpu.vector_store %arg7[%swap3A_1465, %swap3A_1466], %swap3A_1469 {strides = array<i32>} : memref<8x232xf32, #tpu.memory_space<vmem>>, vector<1x16xf32>,
      %get3A_1470 = arith.constant 6 : i32
      %get3A_1471 = arith.index_cast %get3A_1470 : i32 to index
      %get3A_1472 = arith.index_cast %and3A_1385 : i32 to index
      %get3A_1473 = arith.constant 112 : index
      %get3A_1474 = tpu.vector_load %arg6[%get3A_1471, %get3A_1472, %get3A_1473] {strides = array<i32>} : memref<8x8x232xf32, #tpu.memory_space<vmem>>, vector<1x1x16xf32>,
      %get3A_1475 = vector.shape_cast %get3A_1474 : vector<1x1x16xf32> to vector<16xf32>
      %swap3A_1476 = arith.constant 6 : i32
      %swap3A_1477 = arith.index_cast %swap3A_1476 : i32 to index
      %swap3A_1478 = arith.constant 112 : index
      %swap3A_1479 = tpu.vector_load %arg7[%swap3A_1477, %swap3A_1478] {strides = array<i32>} : memref<8x232xf32, #tpu.memory_space<vmem>>, vector<1x16xf32>,
      %swap3A_1480 = vector.shape_cast %swap3A_1479 : vector<1x16xf32> to vector<16xf32>
      %swap3A_1481 = vector.shape_cast %get3A_1475 : vector<16xf32> to vector<1x16xf32>
      tpu.vector_store %arg7[%swap3A_1477, %swap3A_1478], %swap3A_1481 {strides = array<i32>} : memref<8x232xf32, #tpu.memory_space<vmem>>, vector<1x16xf32>,
      %get3A_1482 = arith.constant 6 : i32
      %get3A_1483 = arith.index_cast %get3A_1482 : i32 to index
      %get3A_1484 = arith.index_cast %and3A_1385 : i32 to index
      %get3A_1485 = arith.constant 128 : index
      %get3A_1486 = tpu.vector_load %arg6[%get3A_1483, %get3A_1484, %get3A_1485] {strides = array<i32>} : memref<8x8x232xf32, #tpu.memory_space<vmem>>, vector<1x1x16xf32>,
      %get3A_1487 = vector.shape_cast %get3A_1486 : vector<1x1x16xf32> to vector<16xf32>
      %swap3A_1488 = arith.constant 6 : i32
      %swap3A_1489 = arith.index_cast %swap3A_1488 : i32 to index
      %swap3A_1490 = arith.constant 128 : index
      %swap3A_1491 = tpu.vector_load %arg7[%swap3A_1489, %swap3A_1490] {strides = array<i32>} : memref<8x232xf32, #tpu.memory_space<vmem>>, vector<1x16xf32>,
      %swap3A_1492 = vector.shape_cast %swap3A_1491 : vector<1x16xf32> to vector<16xf32>
      %swap3A_1493 = vector.shape_cast %get3A_1487 : vector<16xf32> to vector<1x16xf32>
      tpu.vector_store %arg7[%swap3A_1489, %swap3A_1490], %swap3A_1493 {strides = array<i32>} : memref<8x232xf32, #tpu.memory_space<vmem>>, vector<1x16xf32>,
      %get3A_1494 = arith.constant 6 : i32
      %get3A_1495 = arith.index_cast %get3A_1494 : i32 to index
      %get3A_1496 = arith.index_cast %and3A_1385 : i32 to index
      %get3A_1497 = arith.constant 144 : index
      %get3A_1498 = tpu.vector_load %arg6[%get3A_1495, %get3A_1496, %get3A_1497] {strides = array<i32>} : memref<8x8x232xf32, #tpu.memory_space<vmem>>, vector<1x1x16xf32>,
      %get3A_1499 = vector.shape_cast %get3A_1498 : vector<1x1x16xf32> to vector<16xf32>
      %swap3A_1500 = arith.constant 6 : i32
      %swap3A_1501 = arith.index_cast %swap3A_1500 : i32 to index
      %swap3A_1502 = arith.constant 144 : index
      %swap3A_1503 = tpu.vector_load %arg7[%swap3A_1501, %swap3A_1502] {strides = array<i32>} : memref<8x232xf32, #tpu.memory_space<vmem>>, vector<1x16xf32>,
      %swap3A_1504 = vector.shape_cast %swap3A_1503 : vector<1x16xf32> to vector<16xf32>
      %swap3A_1505 = vector.shape_cast %get3A_1499 : vector<16xf32> to vector<1x16xf32>
      tpu.vector_store %arg7[%swap3A_1501, %swap3A_1502], %swap3A_1505 {strides = array<i32>} : memref<8x232xf32, #tpu.memory_space<vmem>>, vector<1x16xf32>,
      %get3A_1506 = arith.constant 6 : i32
      %get3A_1507 = arith.index_cast %get3A_1506 : i32 to index
      %get3A_1508 = arith.index_cast %and3A_1385 : i32 to index
      %get3A_1509 = arith.constant 160 : index
      %get3A_1510 = tpu.vector_load %arg6[%get3A_1507, %get3A_1508, %get3A_1509] {strides = array<i32>} : memref<8x8x232xf32, #tpu.memory_space<vmem>>, vector<1x1x16xf32>,
      %get3A_1511 = vector.shape_cast %get3A_1510 : vector<1x1x16xf32> to vector<16xf32>
      %swap3A_1512 = arith.constant 6 : i32
      %swap3A_1513 = arith.index_cast %swap3A_1512 : i32 to index
      %swap3A_1514 = arith.constant 160 : index
      %swap3A_1515 = tpu.vector_load %arg7[%swap3A_1513, %swap3A_1514] {strides = array<i32>} : memref<8x232xf32, #tpu.memory_space<vmem>>, vector<1x16xf32>,
      %swap3A_1516 = vector.shape_cast %swap3A_1515 : vector<1x16xf32> to vector<16xf32>
      %swap3A_1517 = vector.shape_cast %get3A_1511 : vector<16xf32> to vector<1x16xf32>
      tpu.vector_store %arg7[%swap3A_1513, %swap3A_1514], %swap3A_1517 {strides = array<i32>} : memref<8x232xf32, #tpu.memory_space<vmem>>, vector<1x16xf32>,
      %get3A_1518 = arith.constant 6 : i32
      %get3A_1519 = arith.index_cast %get3A_1518 : i32 to index
      %get3A_1520 = arith.index_cast %and3A_1385 : i32 to index
      %get3A_1521 = arith.constant 176 : index
      %get3A_1522 = tpu.vector_load %arg6[%get3A_1519, %get3A_1520, %get3A_1521] {strides = array<i32>} : memref<8x8x232xf32, #tpu.memory_space<vmem>>, vector<1x1x16xf32>,
      %get3A_1523 = vector.shape_cast %get3A_1522 : vector<1x1x16xf32> to vector<16xf32>
      %swap3A_1524 = arith.constant 6 : i32
      %swap3A_1525 = arith.index_cast %swap3A_1524 : i32 to index
      %swap3A_1526 = arith.constant 176 : index
      %swap3A_1527 = tpu.vector_load %arg7[%swap3A_1525, %swap3A_1526] {strides = array<i32>} : memref<8x232xf32, #tpu.memory_space<vmem>>, vector<1x16xf32>,
      %swap3A_1528 = vector.shape_cast %swap3A_1527 : vector<1x16xf32> to vector<16xf32>
      %swap3A_1529 = vector.shape_cast %get3A_1523 : vector<16xf32> to vector<1x16xf32>
      tpu.vector_store %arg7[%swap3A_1525, %swap3A_1526], %swap3A_1529 {strides = array<i32>} : memref<8x232xf32, #tpu.memory_space<vmem>>, vector<1x16xf32>,
      %get3A_1530 = arith.constant 6 : i32
      %get3A_1531 = arith.index_cast %get3A_1530 : i32 to index
      %get3A_1532 = arith.index_cast %and3A_1385 : i32 to index
      %get3A_1533 = arith.constant 192 : index
      %get3A_1534 = tpu.vector_load %arg6[%get3A_1531, %get3A_1532, %get3A_1533] {strides = array<i32>} : memref<8x8x232xf32, #tpu.memory_space<vmem>>, vector<1x1x16xf32>,
      %get3A_1535 = vector.shape_cast %get3A_1534 : vector<1x1x16xf32> to vector<16xf32>
      %swap3A_1536 = arith.constant 6 : i32
      %swap3A_1537 = arith.index_cast %swap3A_1536 : i32 to index
      %swap3A_1538 = arith.constant 192 : index
      %swap3A_1539 = tpu.vector_load %arg7[%swap3A_1537, %swap3A_1538] {strides = array<i32>} : memref<8x232xf32, #tpu.memory_space<vmem>>, vector<1x16xf32>,
      %swap3A_1540 = vector.shape_cast %swap3A_1539 : vector<1x16xf32> to vector<16xf32>
      %swap3A_1541 = vector.shape_cast %get3A_1535 : vector<16xf32> to vector<1x16xf32>
      tpu.vector_store %arg7[%swap3A_1537, %swap3A_1538], %swap3A_1541 {strides = array<i32>} : memref<8x232xf32, #tpu.memory_space<vmem>>, vector<1x16xf32>,
      %get3A_1542 = arith.constant 6 : i32
      %get3A_1543 = arith.index_cast %get3A_1542 : i32 to index
      %get3A_1544 = arith.index_cast %and3A_1385 : i32 to index
      %get3A_1545 = arith.constant 208 : index
      %get3A_1546 = tpu.vector_load %arg6[%get3A_1543, %get3A_1544, %get3A_1545] {strides = array<i32>} : memref<8x8x232xf32, #tpu.memory_space<vmem>>, vector<1x1x16xf32>,
      %get3A_1547 = vector.shape_cast %get3A_1546 : vector<1x1x16xf32> to vector<16xf32>
      %swap3A_1548 = arith.constant 6 : i32
      %swap3A_1549 = arith.index_cast %swap3A_1548 : i32 to index
      %swap3A_1550 = arith.constant 208 : index
      %swap3A_1551 = tpu.vector_load %arg7[%swap3A_1549, %swap3A_1550] {strides = array<i32>} : memref<8x232xf32, #tpu.memory_space<vmem>>, vector<1x16xf32>,
      %swap3A_1552 = vector.shape_cast %swap3A_1551 : vector<1x16xf32> to vector<16xf32>
      %swap3A_1553 = vector.shape_cast %get3A_1547 : vector<16xf32> to vector<1x16xf32>
      tpu.vector_store %arg7[%swap3A_1549, %swap3A_1550], %swap3A_1553 {strides = array<i32>} : memref<8x232xf32, #tpu.memory_space<vmem>>, vector<1x16xf32>,
      %get3A_1554 = arith.constant 6 : i32
      %get3A_1555 = arith.index_cast %get3A_1554 : i32 to index
      %get3A_1556 = arith.index_cast %and3A_1385 : i32 to index
      %get3A_1557 = arith.constant 216 : index
      %get3A_1558 = tpu.vector_load %arg6[%get3A_1555, %get3A_1556, %get3A_1557] {strides = array<i32>} : memref<8x8x232xf32, #tpu.memory_space<vmem>>, vector<1x1x16xf32>,
      %get3A_1559 = vector.shape_cast %get3A_1558 : vector<1x1x16xf32> to vector<16xf32>
      %swap3A_1560 = arith.constant 6 : i32
      %swap3A_1561 = arith.index_cast %swap3A_1560 : i32 to index
      %swap3A_1562 = arith.constant 216 : index
      %swap3A_1563 = tpu.vector_load %arg7[%swap3A_1561, %swap3A_1562] {strides = array<i32>} : memref<8x232xf32, #tpu.memory_space<vmem>>, vector<1x16xf32>,
      %swap3A_1564 = vector.shape_cast %swap3A_1563 : vector<1x16xf32> to vector<16xf32>
      %swap3A_1565 = vector.shape_cast %get3A_1559 : vector<16xf32> to vector<1x16xf32>
      tpu.vector_store %arg7[%swap3A_1561, %swap3A_1562], %swap3A_1565 {strides = array<i32>} : memref<8x232xf32, #tpu.memory_space<vmem>>, vector<1x16xf32>,
      %slice3A_1566 = vector.extract_strided_slice %get3A_6 {offsets = [7], sizes = [1], strides = [1]} : vector<16xi32> to vector<1xi32>
      %squeeze3A_1567 = vector.extract %slice3A_1566[0] : i32 from vector<1xi32>
      %and3A_1568 = arith.constant 7 : i32
      %and3A_1569 = arith.andi %squeeze3A_1567, %and3A_1568 : i32
      %get3A_1570 = arith.constant 7 : i32
      %get3A_1571 = arith.index_cast %get3A_1570 : i32 to index
      %get3A_1572 = arith.index_cast %and3A_1569 : i32 to index
      %get3A_1573 = arith.constant 0 : index
      %get3A_1574 = tpu.vector_load %arg6[%get3A_1571, %get3A_1572, %get3A_1573] {strides = array<i32>} : memref<8x8x232xf32, #tpu.memory_space<vmem>>, vector<1x1x16xf32>,
      %get3A_1575 = vector.shape_cast %get3A_1574 : vector<1x1x16xf32> to vector<16xf32>
      %swap3A_1576 = arith.constant 7 : i32
      %swap3A_1577 = arith.index_cast %swap3A_1576 : i32 to index
      %swap3A_1578 = arith.constant 0 : index
      %swap3A_1579 = tpu.vector_load %arg7[%swap3A_1577, %swap3A_1578] {strides = array<i32>} : memref<8x232xf32, #tpu.memory_space<vmem>>, vector<1x16xf32>,
      %swap3A_1580 = vector.shape_cast %swap3A_1579 : vector<1x16xf32> to vector<16xf32>
      %swap3A_1581 = vector.shape_cast %get3A_1575 : vector<16xf32> to vector<1x16xf32>
      tpu.vector_store %arg7[%swap3A_1577, %swap3A_1578], %swap3A_1581 {strides = array<i32>} : memref<8x232xf32, #tpu.memory_space<vmem>>, vector<1x16xf32>,
      %get3A_1582 = arith.constant 7 : i32
      %get3A_1583 = arith.index_cast %get3A_1582 : i32 to index
      %get3A_1584 = arith.index_cast %and3A_1569 : i32 to index
      %get3A_1585 = arith.constant 16 : index
      %get3A_1586 = tpu.vector_load %arg6[%get3A_1583, %get3A_1584, %get3A_1585] {strides = array<i32>} : memref<8x8x232xf32, #tpu.memory_space<vmem>>, vector<1x1x16xf32>,
      %get3A_1587 = vector.shape_cast %get3A_1586 : vector<1x1x16xf32> to vector<16xf32>
      %swap3A_1588 = arith.constant 7 : i32
      %swap3A_1589 = arith.index_cast %swap3A_1588 : i32 to index
      %swap3A_1590 = arith.constant 16 : index
      %swap3A_1591 = tpu.vector_load %arg7[%swap3A_1589, %swap3A_1590] {strides = array<i32>} : memref<8x232xf32, #tpu.memory_space<vmem>>, vector<1x16xf32>,
      %swap3A_1592 = vector.shape_cast %swap3A_1591 : vector<1x16xf32> to vector<16xf32>
      %swap3A_1593 = vector.shape_cast %get3A_1587 : vector<16xf32> to vector<1x16xf32>
      tpu.vector_store %arg7[%swap3A_1589, %swap3A_1590], %swap3A_1593 {strides = array<i32>} : memref<8x232xf32, #tpu.memory_space<vmem>>, vector<1x16xf32>,
      %get3A_1594 = arith.constant 7 : i32
      %get3A_1595 = arith.index_cast %get3A_1594 : i32 to index
      %get3A_1596 = arith.index_cast %and3A_1569 : i32 to index
      %get3A_1597 = arith.constant 32 : index
      %get3A_1598 = tpu.vector_load %arg6[%get3A_1595, %get3A_1596, %get3A_1597] {strides = array<i32>} : memref<8x8x232xf32, #tpu.memory_space<vmem>>, vector<1x1x16xf32>,
      %get3A_1599 = vector.shape_cast %get3A_1598 : vector<1x1x16xf32> to vector<16xf32>
      %swap3A_1600 = arith.constant 7 : i32
      %swap3A_1601 = arith.index_cast %swap3A_1600 : i32 to index
      %swap3A_1602 = arith.constant 32 : index
      %swap3A_1603 = tpu.vector_load %arg7[%swap3A_1601, %swap3A_1602] {strides = array<i32>} : memref<8x232xf32, #tpu.memory_space<vmem>>, vector<1x16xf32>,
      %swap3A_1604 = vector.shape_cast %swap3A_1603 : vector<1x16xf32> to vector<16xf32>
      %swap3A_1605 = vector.shape_cast %get3A_1599 : vector<16xf32> to vector<1x16xf32>
      tpu.vector_store %arg7[%swap3A_1601, %swap3A_1602], %swap3A_1605 {strides = array<i32>} : memref<8x232xf32, #tpu.memory_space<vmem>>, vector<1x16xf32>,
      %get3A_1606 = arith.constant 7 : i32
      %get3A_1607 = arith.index_cast %get3A_1606 : i32 to index
      %get3A_1608 = arith.index_cast %and3A_1569 : i32 to index
      %get3A_1609 = arith.constant 48 : index
      %get3A_1610 = tpu.vector_load %arg6[%get3A_1607, %get3A_1608, %get3A_1609] {strides = array<i32>} : memref<8x8x232xf32, #tpu.memory_space<vmem>>, vector<1x1x16xf32>,
      %get3A_1611 = vector.shape_cast %get3A_1610 : vector<1x1x16xf32> to vector<16xf32>
      %swap3A_1612 = arith.constant 7 : i32
      %swap3A_1613 = arith.index_cast %swap3A_1612 : i32 to index
      %swap3A_1614 = arith.constant 48 : index
      %swap3A_1615 = tpu.vector_load %arg7[%swap3A_1613, %swap3A_1614] {strides = array<i32>} : memref<8x232xf32, #tpu.memory_space<vmem>>, vector<1x16xf32>,
      %swap3A_1616 = vector.shape_cast %swap3A_1615 : vector<1x16xf32> to vector<16xf32>
      %swap3A_1617 = vector.shape_cast %get3A_1611 : vector<16xf32> to vector<1x16xf32>
      tpu.vector_store %arg7[%swap3A_1613, %swap3A_1614], %swap3A_1617 {strides = array<i32>} : memref<8x232xf32, #tpu.memory_space<vmem>>, vector<1x16xf32>,
      %get3A_1618 = arith.constant 7 : i32
      %get3A_1619 = arith.index_cast %get3A_1618 : i32 to index
      %get3A_1620 = arith.index_cast %and3A_1569 : i32 to index
      %get3A_1621 = arith.constant 64 : index
      %get3A_1622 = tpu.vector_load %arg6[%get3A_1619, %get3A_1620, %get3A_1621] {strides = array<i32>} : memref<8x8x232xf32, #tpu.memory_space<vmem>>, vector<1x1x16xf32>,
      %get3A_1623 = vector.shape_cast %get3A_1622 : vector<1x1x16xf32> to vector<16xf32>
      %swap3A_1624 = arith.constant 7 : i32
      %swap3A_1625 = arith.index_cast %swap3A_1624 : i32 to index
      %swap3A_1626 = arith.constant 64 : index
      %swap3A_1627 = tpu.vector_load %arg7[%swap3A_1625, %swap3A_1626] {strides = array<i32>} : memref<8x232xf32, #tpu.memory_space<vmem>>, vector<1x16xf32>,
      %swap3A_1628 = vector.shape_cast %swap3A_1627 : vector<1x16xf32> to vector<16xf32>
      %swap3A_1629 = vector.shape_cast %get3A_1623 : vector<16xf32> to vector<1x16xf32>
      tpu.vector_store %arg7[%swap3A_1625, %swap3A_1626], %swap3A_1629 {strides = array<i32>} : memref<8x232xf32, #tpu.memory_space<vmem>>, vector<1x16xf32>,
      %get3A_1630 = arith.constant 7 : i32
      %get3A_1631 = arith.index_cast %get3A_1630 : i32 to index
      %get3A_1632 = arith.index_cast %and3A_1569 : i32 to index
      %get3A_1633 = arith.constant 80 : index
      %get3A_1634 = tpu.vector_load %arg6[%get3A_1631, %get3A_1632, %get3A_1633] {strides = array<i32>} : memref<8x8x232xf32, #tpu.memory_space<vmem>>, vector<1x1x16xf32>,
      %get3A_1635 = vector.shape_cast %get3A_1634 : vector<1x1x16xf32> to vector<16xf32>
      %swap3A_1636 = arith.constant 7 : i32
      %swap3A_1637 = arith.index_cast %swap3A_1636 : i32 to index
      %swap3A_1638 = arith.constant 80 : index
      %swap3A_1639 = tpu.vector_load %arg7[%swap3A_1637, %swap3A_1638] {strides = array<i32>} : memref<8x232xf32, #tpu.memory_space<vmem>>, vector<1x16xf32>,
      %swap3A_1640 = vector.shape_cast %swap3A_1639 : vector<1x16xf32> to vector<16xf32>
      %swap3A_1641 = vector.shape_cast %get3A_1635 : vector<16xf32> to vector<1x16xf32>
      tpu.vector_store %arg7[%swap3A_1637, %swap3A_1638], %swap3A_1641 {strides = array<i32>} : memref<8x232xf32, #tpu.memory_space<vmem>>, vector<1x16xf32>,
      %get3A_1642 = arith.constant 7 : i32
      %get3A_1643 = arith.index_cast %get3A_1642 : i32 to index
      %get3A_1644 = arith.index_cast %and3A_1569 : i32 to index
      %get3A_1645 = arith.constant 96 : index
      %get3A_1646 = tpu.vector_load %arg6[%get3A_1643, %get3A_1644, %get3A_1645] {strides = array<i32>} : memref<8x8x232xf32, #tpu.memory_space<vmem>>, vector<1x1x16xf32>,
      %get3A_1647 = vector.shape_cast %get3A_1646 : vector<1x1x16xf32> to vector<16xf32>
      %swap3A_1648 = arith.constant 7 : i32
      %swap3A_1649 = arith.index_cast %swap3A_1648 : i32 to index
      %swap3A_1650 = arith.constant 96 : index
      %swap3A_1651 = tpu.vector_load %arg7[%swap3A_1649, %swap3A_1650] {strides = array<i32>} : memref<8x232xf32, #tpu.memory_space<vmem>>, vector<1x16xf32>,
      %swap3A_1652 = vector.shape_cast %swap3A_1651 : vector<1x16xf32> to vector<16xf32>
      %swap3A_1653 = vector.shape_cast %get3A_1647 : vector<16xf32> to vector<1x16xf32>
      tpu.vector_store %arg7[%swap3A_1649, %swap3A_1650], %swap3A_1653 {strides = array<i32>} : memref<8x232xf32, #tpu.memory_space<vmem>>, vector<1x16xf32>,
      %get3A_1654 = arith.constant 7 : i32
      %get3A_1655 = arith.index_cast %get3A_1654 : i32 to index
      %get3A_1656 = arith.index_cast %and3A_1569 : i32 to index
      %get3A_1657 = arith.constant 112 : index
      %get3A_1658 = tpu.vector_load %arg6[%get3A_1655, %get3A_1656, %get3A_1657] {strides = array<i32>} : memref<8x8x232xf32, #tpu.memory_space<vmem>>, vector<1x1x16xf32>,
      %get3A_1659 = vector.shape_cast %get3A_1658 : vector<1x1x16xf32> to vector<16xf32>
      %swap3A_1660 = arith.constant 7 : i32
      %swap3A_1661 = arith.index_cast %swap3A_1660 : i32 to index
      %swap3A_1662 = arith.constant 112 : index
      %swap3A_1663 = tpu.vector_load %arg7[%swap3A_1661, %swap3A_1662] {strides = array<i32>} : memref<8x232xf32, #tpu.memory_space<vmem>>, vector<1x16xf32>,
      %swap3A_1664 = vector.shape_cast %swap3A_1663 : vector<1x16xf32> to vector<16xf32>
      %swap3A_1665 = vector.shape_cast %get3A_1659 : vector<16xf32> to vector<1x16xf32>
      tpu.vector_store %arg7[%swap3A_1661, %swap3A_1662], %swap3A_1665 {strides = array<i32>} : memref<8x232xf32, #tpu.memory_space<vmem>>, vector<1x16xf32>,
      %get3A_1666 = arith.constant 7 : i32
      %get3A_1667 = arith.index_cast %get3A_1666 : i32 to index
      %get3A_1668 = arith.index_cast %and3A_1569 : i32 to index
      %get3A_1669 = arith.constant 128 : index
      %get3A_1670 = tpu.vector_load %arg6[%get3A_1667, %get3A_1668, %get3A_1669] {strides = array<i32>} : memref<8x8x232xf32, #tpu.memory_space<vmem>>, vector<1x1x16xf32>,
      %get3A_1671 = vector.shape_cast %get3A_1670 : vector<1x1x16xf32> to vector<16xf32>
      %swap3A_1672 = arith.constant 7 : i32
      %swap3A_1673 = arith.index_cast %swap3A_1672 : i32 to index
      %swap3A_1674 = arith.constant 128 : index
      %swap3A_1675 = tpu.vector_load %arg7[%swap3A_1673, %swap3A_1674] {strides = array<i32>} : memref<8x232xf32, #tpu.memory_space<vmem>>, vector<1x16xf32>,
      %swap3A_1676 = vector.shape_cast %swap3A_1675 : vector<1x16xf32> to vector<16xf32>
      %swap3A_1677 = vector.shape_cast %get3A_1671 : vector<16xf32> to vector<1x16xf32>
      tpu.vector_store %arg7[%swap3A_1673, %swap3A_1674], %swap3A_1677 {strides = array<i32>} : memref<8x232xf32, #tpu.memory_space<vmem>>, vector<1x16xf32>,
      %get3A_1678 = arith.constant 7 : i32
      %get3A_1679 = arith.index_cast %get3A_1678 : i32 to index
      %get3A_1680 = arith.index_cast %and3A_1569 : i32 to index
      %get3A_1681 = arith.constant 144 : index
      %get3A_1682 = tpu.vector_load %arg6[%get3A_1679, %get3A_1680, %get3A_1681] {strides = array<i32>} : memref<8x8x232xf32, #tpu.memory_space<vmem>>, vector<1x1x16xf32>,
      %get3A_1683 = vector.shape_cast %get3A_1682 : vector<1x1x16xf32> to vector<16xf32>
      %swap3A_1684 = arith.constant 7 : i32
      %swap3A_1685 = arith.index_cast %swap3A_1684 : i32 to index
      %swap3A_1686 = arith.constant 144 : index
      %swap3A_1687 = tpu.vector_load %arg7[%swap3A_1685, %swap3A_1686] {strides = array<i32>} : memref<8x232xf32, #tpu.memory_space<vmem>>, vector<1x16xf32>,
      %swap3A_1688 = vector.shape_cast %swap3A_1687 : vector<1x16xf32> to vector<16xf32>
      %swap3A_1689 = vector.shape_cast %get3A_1683 : vector<16xf32> to vector<1x16xf32>
      tpu.vector_store %arg7[%swap3A_1685, %swap3A_1686], %swap3A_1689 {strides = array<i32>} : memref<8x232xf32, #tpu.memory_space<vmem>>, vector<1x16xf32>,
      %get3A_1690 = arith.constant 7 : i32
      %get3A_1691 = arith.index_cast %get3A_1690 : i32 to index
      %get3A_1692 = arith.index_cast %and3A_1569 : i32 to index
      %get3A_1693 = arith.constant 160 : index
      %get3A_1694 = tpu.vector_load %arg6[%get3A_1691, %get3A_1692, %get3A_1693] {strides = array<i32>} : memref<8x8x232xf32, #tpu.memory_space<vmem>>, vector<1x1x16xf32>,
      %get3A_1695 = vector.shape_cast %get3A_1694 : vector<1x1x16xf32> to vector<16xf32>
      %swap3A_1696 = arith.constant 7 : i32
      %swap3A_1697 = arith.index_cast %swap3A_1696 : i32 to index
      %swap3A_1698 = arith.constant 160 : index
      %swap3A_1699 = tpu.vector_load %arg7[%swap3A_1697, %swap3A_1698] {strides = array<i32>} : memref<8x232xf32, #tpu.memory_space<vmem>>, vector<1x16xf32>,
      %swap3A_1700 = vector.shape_cast %swap3A_1699 : vector<1x16xf32> to vector<16xf32>
      %swap3A_1701 = vector.shape_cast %get3A_1695 : vector<16xf32> to vector<1x16xf32>
      tpu.vector_store %arg7[%swap3A_1697, %swap3A_1698], %swap3A_1701 {strides = array<i32>} : memref<8x232xf32, #tpu.memory_space<vmem>>, vector<1x16xf32>,
      %get3A_1702 = arith.constant 7 : i32
      %get3A_1703 = arith.index_cast %get3A_1702 : i32 to index
      %get3A_1704 = arith.index_cast %and3A_1569 : i32 to index
      %get3A_1705 = arith.constant 176 : index
      %get3A_1706 = tpu.vector_load %arg6[%get3A_1703, %get3A_1704, %get3A_1705] {strides = array<i32>} : memref<8x8x232xf32, #tpu.memory_space<vmem>>, vector<1x1x16xf32>,
      %get3A_1707 = vector.shape_cast %get3A_1706 : vector<1x1x16xf32> to vector<16xf32>
      %swap3A_1708 = arith.constant 7 : i32
      %swap3A_1709 = arith.index_cast %swap3A_1708 : i32 to index
      %swap3A_1710 = arith.constant 176 : index
      %swap3A_1711 = tpu.vector_load %arg7[%swap3A_1709, %swap3A_1710] {strides = array<i32>} : memref<8x232xf32, #tpu.memory_space<vmem>>, vector<1x16xf32>,
      %swap3A_1712 = vector.shape_cast %swap3A_1711 : vector<1x16xf32> to vector<16xf32>
      %swap3A_1713 = vector.shape_cast %get3A_1707 : vector<16xf32> to vector<1x16xf32>
      tpu.vector_store %arg7[%swap3A_1709, %swap3A_1710], %swap3A_1713 {strides = array<i32>} : memref<8x232xf32, #tpu.memory_space<vmem>>, vector<1x16xf32>,
      %get3A_1714 = arith.constant 7 : i32
      %get3A_1715 = arith.index_cast %get3A_1714 : i32 to index
      %get3A_1716 = arith.index_cast %and3A_1569 : i32 to index
      %get3A_1717 = arith.constant 192 : index
      %get3A_1718 = tpu.vector_load %arg6[%get3A_1715, %get3A_1716, %get3A_1717] {strides = array<i32>} : memref<8x8x232xf32, #tpu.memory_space<vmem>>, vector<1x1x16xf32>,
      %get3A_1719 = vector.shape_cast %get3A_1718 : vector<1x1x16xf32> to vector<16xf32>
      %swap3A_1720 = arith.constant 7 : i32
      %swap3A_1721 = arith.index_cast %swap3A_1720 : i32 to index
      %swap3A_1722 = arith.constant 192 : index
      %swap3A_1723 = tpu.vector_load %arg7[%swap3A_1721, %swap3A_1722] {strides = array<i32>} : memref<8x232xf32, #tpu.memory_space<vmem>>, vector<1x16xf32>,
      %swap3A_1724 = vector.shape_cast %swap3A_1723 : vector<1x16xf32> to vector<16xf32>
      %swap3A_1725 = vector.shape_cast %get3A_1719 : vector<16xf32> to vector<1x16xf32>
      tpu.vector_store %arg7[%swap3A_1721, %swap3A_1722], %swap3A_1725 {strides = array<i32>} : memref<8x232xf32, #tpu.memory_space<vmem>>, vector<1x16xf32>,
      %get3A_1726 = arith.constant 7 : i32
      %get3A_1727 = arith.index_cast %get3A_1726 : i32 to index
      %get3A_1728 = arith.index_cast %and3A_1569 : i32 to index
      %get3A_1729 = arith.constant 208 : index
      %get3A_1730 = tpu.vector_load %arg6[%get3A_1727, %get3A_1728, %get3A_1729] {strides = array<i32>} : memref<8x8x232xf32, #tpu.memory_space<vmem>>, vector<1x1x16xf32>,
      %get3A_1731 = vector.shape_cast %get3A_1730 : vector<1x1x16xf32> to vector<16xf32>
      %swap3A_1732 = arith.constant 7 : i32
      %swap3A_1733 = arith.index_cast %swap3A_1732 : i32 to index
      %swap3A_1734 = arith.constant 208 : index
      %swap3A_1735 = tpu.vector_load %arg7[%swap3A_1733, %swap3A_1734] {strides = array<i32>} : memref<8x232xf32, #tpu.memory_space<vmem>>, vector<1x16xf32>,
      %swap3A_1736 = vector.shape_cast %swap3A_1735 : vector<1x16xf32> to vector<16xf32>
      %swap3A_1737 = vector.shape_cast %get3A_1731 : vector<16xf32> to vector<1x16xf32>
      tpu.vector_store %arg7[%swap3A_1733, %swap3A_1734], %swap3A_1737 {strides = array<i32>} : memref<8x232xf32, #tpu.memory_space<vmem>>, vector<1x16xf32>,
      %get3A_1738 = arith.constant 7 : i32
      %get3A_1739 = arith.index_cast %get3A_1738 : i32 to index
      %get3A_1740 = arith.index_cast %and3A_1569 : i32 to index
      %get3A_1741 = arith.constant 216 : index
      %get3A_1742 = tpu.vector_load %arg6[%get3A_1739, %get3A_1740, %get3A_1741] {strides = array<i32>} : memref<8x8x232xf32, #tpu.memory_space<vmem>>, vector<1x1x16xf32>,
      %get3A_1743 = vector.shape_cast %get3A_1742 : vector<1x1x16xf32> to vector<16xf32>
      %swap3A_1744 = arith.constant 7 : i32
      %swap3A_1745 = arith.index_cast %swap3A_1744 : i32 to index
      %swap3A_1746 = arith.constant 216 : index
      %swap3A_1747 = tpu.vector_load %arg7[%swap3A_1745, %swap3A_1746] {strides = array<i32>} : memref<8x232xf32, #tpu.memory_space<vmem>>, vector<1x16xf32>,
      %swap3A_1748 = vector.shape_cast %swap3A_1747 : vector<1x16xf32> to vector<16xf32>
      %swap3A_1749 = vector.shape_cast %get3A_1743 : vector<16xf32> to vector<1x16xf32>
      tpu.vector_store %arg7[%swap3A_1745, %swap3A_1746], %swap3A_1749 {strides = array<i32>} : memref<8x232xf32, #tpu.memory_space<vmem>>, vector<1x16xf32>,
      "tpu.region"() ({
        %run_scoped3A = tpu.sem_alloc : memref<!tpu.dma_semaphore, #tpu.memory_space<semaphore_mem>>
        %dma_start3A_1750 = arith.constant 0 : i32
        %dma_start3A_1751 = tpu.memref_slice %arg4[%mul3A_2, %dma_start3A_1750] : memref<104x232xf32, #tpu.memory_space<hbm>> -> memref<8x232xf32, #tpu.memory_space<hbm>>
        %dma_start3A_1752 = arith.constant 0 : i32
        %dma_start3A_1753 = tpu.memref_slice %arg4[%mul3A_2, %dma_start3A_1752] : memref<104x232xf32, #tpu.memory_space<hbm>> -> memref<8x232xf32, #tpu.memory_space<hbm>>
        tpu.enqueue_dma source(%arg7 : memref<8x232xf32, #tpu.memory_space<vmem>>) target(%dma_start3A_1753 : memref<8x232xf32, #tpu.memory_space<hbm>>) target_semaphore(%run_scoped3A : memref<!tpu.dma_semaphore, #tpu.memory_space<semaphore_mem>>)
        %dma_wait3A_1754 = arith.constant 0 : i32
        %dma_wait3A_1755 = tpu.memref_slice %arg4[%mul3A_2, %dma_wait3A_1754] : memref<104x232xf32, #tpu.memory_space<hbm>> -> memref<8x232xf32, #tpu.memory_space<hbm>>
        %dma_wait3A_1756 = arith.constant 0 : i32
        %dma_wait3A_1757 = tpu.memref_slice %arg4[%mul3A_2, %dma_wait3A_1756] : memref<104x232xf32, #tpu.memory_space<hbm>> -> memref<8x232xf32, #tpu.memory_space<hbm>>
        tpu.wait_dma2 semaphore(%run_scoped3A : memref<!tpu.dma_semaphore, #tpu.memory_space<semaphore_mem>>) src(%arg7 : memref<8x232xf32, #tpu.memory_space<vmem>>) dst(%dma_wait3A_1757 : memref<8x232xf32, #tpu.memory_space<hbm>>)
        tpu.yield
      }) : () -> ()
    } else {
    }
    return
  }
}

</mosaic_0001>

<sc_bundles>
// kernel: kernel.3.cloned.1.call-start
scs
__scs_entry_jumppad:
0x0: {  	(pc) =	sbr.rel $0x88, $3  }
0x1: {  	(tag) =	ssettag $0x0;
	lr =	simm.s32 $0x1  }
0x2: {  	[smem:$0x3F9F] =	sst lr;
	_ =	strace $0xD0000000  }
0x3: {  	_ = 	snop  }
0x4: {  	_ = 	snop  }
0x5: {  	_ = 	snop  }
0x6: {  	_ = 	snop  }
0x7: {  	_ = 	snop  }
__scs_overlays_trampoline_lowered:
0x8: {  	[smem:$0x3FAE] =	sst s0  }
0x9: {  	[smem:$0x3FAF] =	sst s1  }
0xa: {  	[smem:$0x3FB0] =	sst s2  }
0xb: {  	[smem:$0x3FB1] =	sst s3  }
0xc: {  	[smem:$0x3FB2] =	sst s4  }
0xd: {  	[smem:$0x3FB3] =	sst s5  }
0xe: {  	[smem:$0x3FB4] =	sst s6  }
0xf: {  	[smem:$0x3FB5] =	sst s7  }
0x10: {  	[smem:$0x3FB6] =	sst s8  }
0x11: {  	[smem:$0x3FB7] =	sst s9;
	s0 =	simm.s32 @!p0 $0x0  }
0x12: {  	s1 =	sld [smem:$0x3F9D];
	s0 =	simm.s32 @p0 $0x1  }
0x13: {  	[smem:$0x3FB8] =	sst s0;
	s0 =	simm.s32 @!p1 $0x0  }
0x14: {  	s2 =	sld [smem:$0x3F9C];
	s0 =	simm.s32 @p1 $0x1  }
0x15: {  	[smem:$0x3FB9] =	sst s0;
	s0 =	simm.s32 @!p2 $0x0  }
0x16: {  	s3 =	sld [smem:$0x3FDB];
	s0 =	simm.s32 @p2 $0x1  }
0x17: {  	s4 =	simm.s32 $0x1BF5;
	[smem:$0x3FBB] =	sst s0  }
0x18: {  	s0 =	sld [smem:$0x3F9E];
	_ =	swait.ge [sflag:s4], $0x0  }
0x19: {  	s7 =	sld [smem:$0x3F9F]  }
0x1a: {  	s8 =	sadd.s32 $0xFFFFE003, lr  }
0x1b: {  	s9 =	sadd.s32 $0xFFFFFEF7, lr;
	s5 =	simm.s32 $0xFFFFFFFF;
	p2 =	slt.u32 s8, $0xFFFFF086  }
0x1c: {  	p1 =	slt.u32 s9, $0xF7A;
	s5 =	simm.s32 @!p2 $0x0  }
0x1d: {  	s5 =	simm.s32 @p1 $0x1;
	p0 =	seq.s32 s7, s2  }
0x1e: {  	s7 =	smul.u32 @!p0 $0xF7A, s2;
	p2 =	seq.s32 @!p0 s5, $0x0  }
0x1f: {  	s9 =	smul.u32 $0xF7A, s1;
	s8 =	simm.s32 @!p0 $0x1BF5;
	p2 =	por !p2, p0  }
0x20: {  	[sflag:s8] =	ssyncset.s32 @!p0 $0xFFFFF086;
	s6 =	sadd.s32 @!p0 s3, s7;
	s7 =	simm.s32 @!p0 $0x108  }
0x21: {  	s3 =	sadd.s32 s3, s9;
	s6 =	sadd.s32 @!p0 $0x88, s6;
	s7 =	simm.s32 @p2 $0x1082  }
0x22: {  	[simem:s7], [sflag:s8] =	dma.local @!p0 [hbm:s6], $0xF7A  }
0x23: {  	s9 =	sor.u32 $0xD0000000, s2;
	s6 =	simm.s32 $0x108;
	_ =	swait.ge @!p0 [sflag:s8], $0x0  }
0x24: {  	s3 =	sadd.s32 $0x88, s3;
	s6 =	simm.s32 @!p1 $0x1082;
	[sflag:s4] =	ssyncset.s32 $0xFFFFF086  }
0x25: {  	[simem:s6], [sflag:s4] =	dma.local [hbm:s3], $0xF7A  }
0x26: {  	[smem:$0x3F9F] =	sst s1;
	(tag) =	ssettag s2;
	_ =	strace s9  }
0x27: {  	s1 =	sld [smem:$0x3FAF]  }
0x28: {  	s2 =	sld [smem:$0x3FB0]  }
0x29: {  	s4 =	sld [smem:$0x3FB2]  }
0x2a: {  	p0 =	seq.s32 s5, $0x0;
	s5 =	sld [smem:$0x3FB3]  }
0x2b: {  	s6 =	sld [smem:$0x3FB4]  }
0x2c: {  	s7 =	sld [smem:$0x3FB5]  }
0x2d: {  	s3 =	simm.s32 $0x108;
	s8 =	sld [smem:$0x3FB6]  }
0x2e: {  	s3 =	simm.s32 @!p0 $0x1082;
	s9 =	sld [smem:$0x3FB7]  }
0x2f: {  	lr =	sadd.s32 s0, s3;
	s0 =	sld [smem:$0x3FAE]  }
0x30: {  	s3 =	sld [smem:$0x3FB1]  }
0x31: {  	[smem:$0x3FBA] =	sst s10  }
0x32: {  	s10 =	sld [smem:$0x3FB8];
	_ =	sdelay $0x3  }
0x33: {  	p0 =	seq.s32 s10, $0x1;
	s10 =	sld [smem:$0x3FBA];
	_ =	sdelay $0x3  }
0x34: {  	[smem:$0x3FBA] =	sst s10  }
0x35: {  	s10 =	sld [smem:$0x3FB9];
	_ =	sdelay $0x3  }
0x36: {  	p1 =	seq.s32 s10, $0x1;
	s10 =	sld [smem:$0x3FBA];
	_ =	sdelay $0x3  }
0x37: {  	[smem:$0x3FBA] =	sst s10  }
0x38: {  	s10 =	sld [smem:$0x3FBB]  }
0x39: {  	_ = 	snop;
	(pc) =	sbr.ind lr, $3  }
0x3a: {  	_ = 	snop  }
0x3b: {  	_ = 	snop  }
0x3c: {  	p2 =	seq.s32 s10, $0x1;
	s10 =	sld [smem:$0x3FBA]  }
0x3d: {  	_ =	shalt  }
0x3e: {  	_ =	shalt  }
0x3f: {  	_ =	shalt  }
0x40: {  	_ =	shalt  }
0x41: {  	_ =	shalt  }
0x42: {  	_ =	shalt  }
0x43: {  	_ =	shalt  }
0x44: {  	_ =	shalt  }
0x45: {  	_ =	shalt  }
0x46: {  	_ =	shalt  }
0x47: {  	_ =	shalt  }
0x48: {  	_ =	shalt  }
0x49: {  	_ =	shalt  }
0x4a: {  	_ =	shalt  }
0x4b: {  	_ =	shalt  }
0x4c: {  	_ =	shalt  }
0x4d: {  	_ =	shalt  }
0x4e: {  	_ =	shalt  }
0x4f: {  	_ =	shalt  }
0x50: {  	_ =	shalt  }
0x51: {  	_ =	shalt  }
0x52: {  	_ =	shalt  }
0x53: {  	_ =	shalt  }
0x54: {  	_ =	shalt  }
0x55: {  	_ =	shalt  }
0x56: {  	_ =	shalt  }
0x57: {  	_ =	shalt  }
0x58: {  	_ =	shalt  }
0x59: {  	_ =	shalt  }
0x5a: {  	_ =	shalt  }
0x5b: {  	_ =	shalt  }
0x5c: {  	_ =	shalt  }
0x5d: {  	_ =	shalt  }
0x5e: {  	_ =	shalt  }
0x5f: {  	_ =	shalt  }
0x60: {  	_ =	shalt  }
0x61: {  	_ =	shalt  }
0x62: {  	_ =	shalt  }
0x63: {  	_ =	shalt  }
0x64: {  	_ =	shalt  }
0x65: {  	_ =	shalt  }
0x66: {  	_ =	shalt  }
0x67: {  	_ =	shalt  }
0x68: {  	_ =	shalt  }
0x69: {  	_ =	shalt  }
0x6a: {  	_ =	shalt  }
0x6b: {  	_ =	shalt  }
0x6c: {  	_ =	shalt  }
0x6d: {  	_ =	shalt  }
0x6e: {  	_ =	shalt  }
0x6f: {  	_ =	shalt  }
0x70: {  	_ =	shalt  }
0x71: {  	_ =	shalt  }
0x72: {  	_ =	shalt  }
0x73: {  	_ =	shalt  }
0x74: {  	_ =	shalt  }
0x75: {  	_ =	shalt  }
0x76: {  	_ =	shalt  }
0x77: {  	_ =	shalt  }
0x78: {  	_ =	shalt  }
0x79: {  	_ =	shalt  }
0x7a: {  	_ =	shalt  }
0x7b: {  	_ =	shalt  }
0x7c: {  	_ =	shalt  }
0x7d: {  	_ =	shalt  }
0x7e: {  	_ =	shalt  }
0x7f: {  	_ =	shalt  }
0x80: {  	_ =	shalt  }
0x81: {  	_ =	shalt  }
0x82: {  	_ =	shalt  }
0x83: {  	_ =	shalt  }
0x84: {  	_ =	shalt  }
0x85: {  	_ =	shalt  }
0x86: {  	_ =	shalt  }
0x87: {  	_ =	shalt  }
.Lfunc_end0:
.L_simem_size_0:
called_computation_lowered:
.L_overlay_start_0:
0x88: {  	s0 =	sld [smem:$0x3FD9]  }
0x89: {  	s1 =	sld [smem:$0x3FFE];
	_ =	sdelay $0x3  }
0x8a: {  	s0 =	sadd.s32 s1, s0  }
0x8b: {  	[smem:$0x3FC6] =	sst s0  }
0x8c: {  	_ = 	snop  }
0x8d: {  	s0 =	sld [smem:$0x3FD0];
	(tm) =	ssettm $0x1  }
0x8e: {  	s16 =	sld [smem:$0x3FFB];
	_ =	sdelay $0x3  }
0x8f: {  	_ =	strace s16  }
0x90: {  	s1 =	sld [smem:$0x3FFC];
	_ =	sdelay $0x3  }
0x91: {  	_ =	strace s1  }
0x92: {  	s1 =	sld [smem:$0x3FFD];
	_ =	sdelay $0x3  }
0x93: {  	_ =	strace s1  }
0x94: {  	_ =	strace $0x8FFFFFFF  }
0x95: {  	s17 =	sld [smem:$0x3FDB];
	_ =	sdelay $0x1  }
0x96: {  	s2 =	simm.s32 $_scs_section_size  }
0x97: {  	s3 =	simm.s32 $_size__tile_overlayer_lowered;
	s4 =	simm.s32 $_tile_overlayer_lowered  }
0x98: {  	s20 =	simm.s32 $0x1BFF;
	s19 =	sshll.u32 s4, $0x1;
	s1 =	sadd.s32 s2, s17  }
0x99: {  	s5 =	simm.s32 $0x0;
	s18 =	sshll.u32 s3, $0x1;
	s3 =	sadd.s32 s19, s1  }
0x9a: {  	[timem:s5], [sflag:s20] =	dma.local [hbm:s3], s18  }
0x9b: {  	_ =	swait.ge [sflag:s20], s18  }
0x9c: {  	s2 =	ssub.s32 $0x0, s18;
	[sflag:s20] =	ssyncset.done $0x0  }
0x9d: {  	[sflag:s20] =	ssyncadd.s32 s2;
	_ =	sdelay $0x1  }
0x9e: {  	s21 =	simm.s32 $0x1B8B  }
0x9f: {  	_ =	swait.ge [sflag:s21], $0x1  }
0xa0: {  	[sflag:s21] =	ssyncset.done $0x0  }
0xa1: {  	s23 =	simm.s32 $0x1B8E;
	s22 =	sld [smem:$0x3FFE];
	[sflag:s21] =	ssyncadd.s32 $0xFFFFFFFF  }
0xa2: {  	s24 =	simm.s32 $execute0_lowered;
	[smem:$0x3FD2] =	sst s23  }
0xa3: {  	s3 =	sshll.u32 s24, $0x1;
	_ =	strace $0x80000046;
	[dreg:$0x1] =	wrdreg $0xFFFFFFFF  }
0xa4: {  	s25 =	simm.s32 $_size_execute0_lowered;
	s1 =	sadd.s32 s1, s3;
	[dreg:$0x0] =	wrdreg $0x0  }
0xa5: {  	s3 =	sshll.u32 s25, $0x1;
	[dreg:$0x2] =	wrdreg s1  }
0xa6: {  	[dreg:$0x3] =	wrdreg s3  }
0xa7: {  	[dreg:$0x4] =	wrdreg $0xC0  }
0xa8: {  	_ =	task [dreg:s5], $0x5FFFF  }
0xa9: {  	[dreg:$0x1] =	wrdreg $0xFFFFFFFF  }
0xaa: {  	[dreg:$0x0] =	wrdreg $0x60  }
0xab: {  	[dreg:$0x2] =	wrdreg s22  }
0xac: {  	[dreg:$0x3] =	wrdreg s0  }
0xad: {  	[dreg:$0x4] =	wrdreg $0x9  }
0xae: {  	_ =	task.clear_ibuf [dreg:s5], $0x5FFFF;
	_ =	strace $0x90000046  }
0xaf: {  	s26 =	simm.s32 $0x9;
	_ =	strace $0x80000048  }
0xb0: {  	_ =	swait.ge [sflag:s26], $0x1  }
0xb1: {  	[sflag:s26] =	ssyncadd.s32 $0xFFFFFFFF  }
0xb2: {  	_ =	strace $0x90000048  }
0xb3: {  	_ =	sfence  }
0xb4: {  	s28 =	sld [smem:$0x0];
	_ =	sdelay $0x1  }
0xb5: {  	s29 =	srdreg.scid  }
0xb6: {  	s30 =	sshll.u32 s29, $0xD;
	s31 =	sshrl.u32 s29, $0x2  }
0xb7: {  	s2 =	sand.u32 $0x4000, s30;
	s1 =	sand.u32 $0x1, s29;
	s0 =	sadd.s32 s31, s28  }
0xb8: {  	s1 =	sor.u32 s2, s1;
	s0 =	sshll.u32 s0, $0x11  }
0xb9: {  	s0 =	sor.u32 s0, s1  }
0xba: {  	s0 =	sadd.s32 $0x8F2B, s0  }
0xbb: {  	[sflag:s0] =	ssyncadd.remote.s32 $0x1  }
0xbc: {  	_ =	sfence.sel $0xFFFF  }
0xbd: {  	[dreg:$0x0] =	wrdreg $0xFFFFFFFF;
	(pc) =	sbr.abs _section_cstart, $3  }
0xbe: {  	[dreg:$0x1] =	wrdreg $0xFFFFFFFF  }
0xbf: {  	_ =	task.clear_ibuf [dreg:s5], $0x2FFFF;
	_ =	strace $0x9FFFFFFF  }
0xc0: {  	(tm) =	ssettm $0x7FFFFFFF  }
0xc1: {  	_ =	shalt  }
tec
execute0_lowered:
.L_overlay_start_1:
0x0: {  	(tag) =	ssettag $0x1  }
0x1: {  	s1 =	stileid.u32  }
0x2: {  	p0 =	sgt.u32 s1, $0xC  }
.Ltmp0:
0x3: {  	_ = 	snop;
	(pc) =	sbr.rel @p0 .LBB2_2-.Ltmp0, $4  }
0x4: {  	s5 =	rddreg [dreg:$0x0]  }
0x5: {  	s3 =	rddreg [dreg:$0x1];
	s2 =	simm.s32 $0x0  }
0x6: {  	[smem:$0x7FF] =	sst s2  }
0x7: {  	s0 =	rddreg [dreg:$0x2];
	_ =	strace $0x80000047  }
0x8: {  	s4 =	sadd.s32 $0x400, s5  }
0x9: {  	[tilespmem:s2], [sflag:$0x2] =	stream.linear.gather [hbm4b:s4+s2], $0x400, $0x38;
	[tilespmem:$0x4C00] =	vst v63  }
0xa: {  	s4 =	simm.s32 $0x2  }
0xb: {  	_ =	swait.ge [sflag:s4], $0x400  }
0xc: {  	[sflag:s4] =	ssyncset.done $0x0  }
0xd: {  	s6 =	sshll.u32 s1, $0x3;
	[sflag:s4] =	ssyncadd.s32 $0xFFFFFC00  }
0xe: {  	v0 =	vld [tilespmem:s6+$0x0];
	_ =	sdelay $0x4  }
0xf: {  	(v2sf) =	vpush v0, $0x0;
	_ =	sdelay $0x5  }
0x10: {  	(v2sf) =	vpush v0, $0x1;
	_ =	sdelay $0x2  }
0x11: {  	(v2sf) =	vpush v0, $0x2;
	_ =	sdelay $0x5  }
0x12: {  	s12 =	spop (v2sf);
	(v2sf) =	vpush v0, $0x3;
	_ =	sdelay $0x2  }
0x13: {  	(v2sf) =	vpush v0, $0x4;
	_ =	sdelay $0x2  }
0x14: {  	s11 =	spop (v2sf);
	(v2sf) =	vpush v0, $0x5  }
0x15: {  	s18 =	sshll.u32 s12, $0x5  }
0x16: {  	s13 =	sadd.s32 $0x20400, s5;
	s20 =	simm.s32 $0x400;
	s19 =	sand.u32 $0xFFFFF00, s18  }
0x17: {  	s21 =	sshll.u32 s11, $0x5;
	s10 =	spop (v2sf);
	s5 =	sadd.s32 s13, s19;
	(v2sf) =	vpush v0, $0x6  }
0x18: {  	[tilespmem:s20], [sflag:$0x1] =	stream.linear.gather [hbm4b:s5+s2], $0x800, $0x38;
	[tilespmem:$0x4C00] =	vst v63  }
0x19: {  	s5 =	sand.u32 $0xFFFFF00, s21  }
0x1a: {  	s22 =	simm.s32 $0xC00;
	s23 =	sshll.u32 s10, $0x5;
	s5 =	sadd.s32 s13, s5  }
0x1b: {  	[tilespmem:s22], [sflag:$0x1] =	stream.linear.gather [hbm4b:s5+s2], $0x800, $0x38;
	[tilespmem:$0x4C00] =	vst v63  }
0x1c: {  	s5 =	sand.u32 $0xFFFFF00, s23  }
0x1d: {  	s24 =	simm.s32 $0x1400;
	s5 =	sadd.s32 s13, s5;
	s9 =	spop (v2sf);
	(v2sf) =	vpush v0, $0x7  }
0x1e: {  	[tilespmem:s24], [sflag:$0x1] =	stream.linear.gather [hbm4b:s5+s2], $0x800, $0x38;
	[tilespmem:$0x4C00] =	vst v63  }
0x1f: {  	s25 =	sshll.u32 s9, $0x5  }
0x20: {  	s8 =	spop (v2sf);
	s5 =	sand.u32 $0xFFFFF00, s25  }
0x21: {  	s26 =	simm.s32 $0x1C00;
	s28 =	sshll.u32 s8, $0x5;
	s5 =	sadd.s32 s13, s5  }
0x22: {  	[tilespmem:s26], [sflag:$0x1] =	stream.linear.gather [hbm4b:s5+s2], $0x800, $0x38;
	[tilespmem:$0x4C00] =	vst v63  }
0x23: {  	s7 =	spop (v2sf);
	s5 =	sand.u32 $0xFFFFF00, s28  }
0x24: {  	s29 =	simm.s32 $0x2400;
	s30 =	sshll.u32 s7, $0x5;
	s5 =	sadd.s32 s13, s5  }
0x25: {  	[tilespmem:s29], [sflag:$0x1] =	stream.linear.gather [hbm4b:s5+s2], $0x800, $0x38;
	[tilespmem:$0x4C00] =	vst v63  }
0x26: {  	s31 =	spop (v2sf);
	s5 =	sand.u32 $0xFFFFF00, s30  }
0x27: {  	s14 =	simm.s32 $0x2C00;
	s15 =	sshll.u32 s31, $0x5;
	s5 =	sadd.s32 s13, s5  }
0x28: {  	[tilespmem:s14], [sflag:$0x1] =	stream.linear.gather [hbm4b:s5+s2], $0x800, $0x38;
	[tilespmem:$0x4C00] =	vst v63  }
0x29: {  	s5 =	sand.u32 $0xFFFFF00, s15  }
0x2a: {  	s16 =	simm.s32 $0x3400;
	s5 =	sadd.s32 s13, s5  }
0x2b: {  	[tilespmem:s16], [sflag:$0x1] =	stream.linear.gather [hbm4b:s5+s2], $0x800, $0x38;
	[tilespmem:$0x4C00] =	vst v63  }
0x2c: {  	s17 =	spop (v2sf)  }
0x2d: {  	s18 =	sshll.u32 s17, $0x5  }
0x2e: {  	s14 =	sand.u32 $0xFFFFF00, s18  }
0x2f: {  	s19 =	simm.s32 $0x3C00;
	s20 =	simm.s32 $0x1;
	s13 =	sadd.s32 s13, s14  }
0x30: {  	[tilespmem:s19], [sflag:$0x1] =	stream.linear.gather [hbm4b:s13+s2], $0x800, $0x38;
	[tilespmem:$0x4C00] =	vst v63  }
0x31: {  	_ =	swait.ge [sflag:s20], $0x800  }
0x32: {  	[sflag:s20] =	ssyncset.done $0x0  }
0x33: {  	[sflag:s20] =	ssyncadd.s32 $0xFFFFF800  }
0x34: {  	_ =	swait.ge [sflag:s20], $0x800  }
0x35: {  	[sflag:s20] =	ssyncset.done $0x0  }
0x36: {  	[sflag:s20] =	ssyncadd.s32 $0xFFFFF800  }
0x37: {  	_ =	swait.ge [sflag:s20], $0x800  }
0x38: {  	[sflag:s20] =	ssyncset.done $0x0  }
0x39: {  	[sflag:s20] =	ssyncadd.s32 $0xFFFFF800  }
0x3a: {  	_ =	swait.ge [sflag:s20], $0x800  }
0x3b: {  	[sflag:s20] =	ssyncset.done $0x0  }
0x3c: {  	[sflag:s20] =	ssyncadd.s32 $0xFFFFF800  }
0x3d: {  	_ =	swait.ge [sflag:s20], $0x800  }
0x3e: {  	[sflag:s20] =	ssyncset.done $0x0  }
0x3f: {  	[sflag:s20] =	ssyncadd.s32 $0xFFFFF800  }
0x40: {  	_ =	swait.ge [sflag:s20], $0x800  }
0x41: {  	[sflag:s20] =	ssyncset.done $0x0  }
0x42: {  	[sflag:s20] =	ssyncadd.s32 $0xFFFFF800  }
0x43: {  	_ =	swait.ge [sflag:s20], $0x800  }
0x44: {  	[sflag:s20] =	ssyncset.done $0x0  }
0x45: {  	[sflag:s20] =	ssyncadd.s32 $0xFFFFF800  }
0x46: {  	_ =	swait.ge [sflag:s20], $0x800  }
0x47: {  	s12 =	sshll.u32 s12, $0x7;
	[sflag:s20] =	ssyncset.done $0x0  }
0x48: {  	s12 =	sand.u32 $0x380, s12;
	[sflag:s20] =	ssyncadd.s32 $0xFFFFF800  }
0x49: {  	v63 =	vld [tilespmem:s12+$0x400];
	_ =	sdelay $0x4  }
0x4a: {  	[tilespmem:$0x4400] =	vst v63  }
0x4b: {  	v0 =	vld [tilespmem:s12+$0x410];
	_ =	sdelay $0x4  }
0x4c: {  	[tilespmem:$0x4410] =	vst v0  }
0x4d: {  	v0 =	vld [tilespmem:s12+$0x420];
	_ =	sdelay $0x4  }
0x4e: {  	[tilespmem:$0x4420] =	vst v0  }
0x4f: {  	v0 =	vld [tilespmem:s12+$0x430];
	_ =	sdelay $0x4  }
0x50: {  	[tilespmem:$0x4430] =	vst v0  }
0x51: {  	v0 =	vld [tilespmem:s12+$0x440];
	_ =	sdelay $0x4  }
0x52: {  	[tilespmem:$0x4440] =	vst v0  }
0x53: {  	v0 =	vld [tilespmem:s12+$0x450];
	_ =	sdelay $0x4  }
0x54: {  	[tilespmem:$0x4450] =	vst v0  }
0x55: {  	v0 =	vld [tilespmem:s12+$0x460];
	_ =	sdelay $0x4  }
0x56: {  	[tilespmem:$0x4460] =	vst v0  }
0x57: {  	v0 =	vld [tilespmem:s12+$0x470];
	_ =	sdelay $0x4  }
0x58: {  	[tilespmem:$0x4470] =	vst v0  }
0x59: {  	v0 =	vld [tilespmem:s12+$0x800];
	_ =	sdelay $0x4  }
0x5a: {  	[tilespmem:$0x4800] =	vst v0  }
0x5b: {  	v0 =	vld [tilespmem:s12+$0x810];
	_ =	sdelay $0x4  }
0x5c: {  	[tilespmem:$0x4810] =	vst v0  }
0x5d: {  	v0 =	vld [tilespmem:s12+$0x820];
	_ =	sdelay $0x4  }
0x5e: {  	[tilespmem:$0x4820] =	vst v0  }
0x5f: {  	v0 =	vld [tilespmem:s12+$0x830];
	_ =	sdelay $0x4  }
0x60: {  	[tilespmem:$0x4830] =	vst v0  }
0x61: {  	v0 =	vld [tilespmem:s12+$0x840];
	_ =	sdelay $0x4  }
0x62: {  	[tilespmem:$0x4840] =	vst v0  }
0x63: {  	v0 =	vld [tilespmem:s12+$0x850];
	_ =	sdelay $0x4  }
0x64: {  	s12 =	sor.u32 $0x860, s12;
	[tilespmem:$0x4850] =	vst v0  }
0x65: {  	v0 =	vld.msk [tilespmem:s12+$0x0], $0xff;
	_ =	sdelay $0x3  }
0x66: {  	s11 =	sshll.u32 s11, $0x7;
	s21 =	simm.s32 $0x4860  }
0x67: {  	s11 =	sand.u32 $0x380, s11;
	[tilespmem:s21+$0x0] =	vst.msk $0xff, v0  }
0x68: {  	v0 =	vld [tilespmem:s11+$0xC00];
	_ =	sdelay $0x4  }
0x69: {  	[tilespmem:$0x4480] =	vst v0  }
0x6a: {  	v0 =	vld [tilespmem:s11+$0xC10];
	_ =	sdelay $0x4  }
0x6b: {  	[tilespmem:$0x4490] =	vst v0  }
0x6c: {  	v0 =	vld [tilespmem:s11+$0xC20];
	_ =	sdelay $0x4  }
0x6d: {  	[tilespmem:$0x44A0] =	vst v0  }
0x6e: {  	v0 =	vld [tilespmem:s11+$0xC30];
	_ =	sdelay $0x4  }
0x6f: {  	[tilespmem:$0x44B0] =	vst v0  }
0x70: {  	v0 =	vld [tilespmem:s11+$0xC40];
	_ =	sdelay $0x4  }
0x71: {  	[tilespmem:$0x44C0] =	vst v0  }
0x72: {  	v0 =	vld [tilespmem:s11+$0xC50];
	_ =	sdelay $0x4  }
0x73: {  	[tilespmem:$0x44D0] =	vst v0  }
0x74: {  	v0 =	vld [tilespmem:s11+$0xC60];
	_ =	sdelay $0x4  }
0x75: {  	[tilespmem:$0x44E0] =	vst v0  }
0x76: {  	v0 =	vld [tilespmem:s11+$0xC70];
	_ =	sdelay $0x4  }
0x77: {  	[tilespmem:$0x44F0] =	vst v0  }
0x78: {  	v0 =	vld [tilespmem:s11+$0x1000];
	_ =	sdelay $0x4  }
0x79: {  	[tilespmem:$0x4880] =	vst v0  }
0x7a: {  	v0 =	vld [tilespmem:s11+$0x1010];
	_ =	sdelay $0x4  }
0x7b: {  	[tilespmem:$0x4890] =	vst v0  }
0x7c: {  	v0 =	vld [tilespmem:s11+$0x1020];
	_ =	sdelay $0x4  }
0x7d: {  	[tilespmem:$0x48A0] =	vst v0  }
0x7e: {  	v0 =	vld [tilespmem:s11+$0x1030];
	_ =	sdelay $0x4  }
0x7f: {  	[tilespmem:$0x48B0] =	vst v0  }
0x80: {  	v0 =	vld [tilespmem:s11+$0x1040];
	_ =	sdelay $0x4  }
0x81: {  	[tilespmem:$0x48C0] =	vst v0  }
0x82: {  	v0 =	vld [tilespmem:s11+$0x1050];
	_ =	sdelay $0x4  }
0x83: {  	s11 =	sor.u32 $0x1060, s11;
	[tilespmem:$0x48D0] =	vst v0  }
0x84: {  	v0 =	vld.msk [tilespmem:s11+$0x0], $0xff;
	_ =	sdelay $0x3  }
0x85: {  	s10 =	sshll.u32 s10, $0x7;
	s22 =	simm.s32 $0x48E0  }
0x86: {  	s10 =	sand.u32 $0x380, s10;
	[tilespmem:s22+$0x0] =	vst.msk $0xff, v0  }
0x87: {  	v0 =	vld [tilespmem:s10+$0x1400];
	_ =	sdelay $0x4  }
0x88: {  	[tilespmem:$0x4500] =	vst v0  }
0x89: {  	v0 =	vld [tilespmem:s10+$0x1410];
	_ =	sdelay $0x4  }
0x8a: {  	[tilespmem:$0x4510] =	vst v0  }
0x8b: {  	v0 =	vld [tilespmem:s10+$0x1420];
	_ =	sdelay $0x4  }
0x8c: {  	[tilespmem:$0x4520] =	vst v0  }
0x8d: {  	v0 =	vld [tilespmem:s10+$0x1430];
	_ =	sdelay $0x4  }
0x8e: {  	[tilespmem:$0x4530] =	vst v0  }
0x8f: {  	v0 =	vld [tilespmem:s10+$0x1440];
	_ =	sdelay $0x4  }
0x90: {  	[tilespmem:$0x4540] =	vst v0  }
0x91: {  	v0 =	vld [tilespmem:s10+$0x1450];
	_ =	sdelay $0x4  }
0x92: {  	[tilespmem:$0x4550] =	vst v0  }
0x93: {  	v0 =	vld [tilespmem:s10+$0x1460];
	_ =	sdelay $0x4  }
0x94: {  	[tilespmem:$0x4560] =	vst v0  }
0x95: {  	v0 =	vld [tilespmem:s10+$0x1470];
	_ =	sdelay $0x4  }
0x96: {  	[tilespmem:$0x4570] =	vst v0  }
0x97: {  	v0 =	vld [tilespmem:s10+$0x1800];
	_ =	sdelay $0x4  }
0x98: {  	[tilespmem:$0x4900] =	vst v0  }
0x99: {  	v0 =	vld [tilespmem:s10+$0x1810];
	_ =	sdelay $0x4  }
0x9a: {  	[tilespmem:$0x4910] =	vst v0  }
0x9b: {  	v0 =	vld [tilespmem:s10+$0x1820];
	_ =	sdelay $0x4  }
0x9c: {  	[tilespmem:$0x4920] =	vst v0  }
0x9d: {  	v0 =	vld [tilespmem:s10+$0x1830];
	_ =	sdelay $0x4  }
0x9e: {  	[tilespmem:$0x4930] =	vst v0  }
0x9f: {  	v0 =	vld [tilespmem:s10+$0x1840];
	_ =	sdelay $0x4  }
0xa0: {  	[tilespmem:$0x4940] =	vst v0  }
0xa1: {  	v0 =	vld [tilespmem:s10+$0x1850];
	_ =	sdelay $0x4  }
0xa2: {  	s10 =	sor.u32 $0x1860, s10;
	[tilespmem:$0x4950] =	vst v0  }
0xa3: {  	v0 =	vld.msk [tilespmem:s10+$0x0], $0xff;
	_ =	sdelay $0x3  }
0xa4: {  	s23 =	simm.s32 $0x4960;
	s9 =	sshll.u32 s9, $0x7  }
0xa5: {  	s9 =	sand.u32 $0x380, s9;
	[tilespmem:s23+$0x0] =	vst.msk $0xff, v0  }
0xa6: {  	v0 =	vld [tilespmem:s9+$0x1C00];
	_ =	sdelay $0x4  }
0xa7: {  	[tilespmem:$0x4580] =	vst v0  }
0xa8: {  	v0 =	vld [tilespmem:s9+$0x1C10];
	_ =	sdelay $0x4  }
0xa9: {  	[tilespmem:$0x4590] =	vst v0  }
0xaa: {  	v0 =	vld [tilespmem:s9+$0x1C20];
	_ =	sdelay $0x4  }
0xab: {  	[tilespmem:$0x45A0] =	vst v0  }
0xac: {  	v0 =	vld [tilespmem:s9+$0x1C30];
	_ =	sdelay $0x4  }
0xad: {  	[tilespmem:$0x45B0] =	vst v0  }
0xae: {  	v0 =	vld [tilespmem:s9+$0x1C40];
	_ =	sdelay $0x4  }
0xaf: {  	[tilespmem:$0x45C0] =	vst v0  }
0xb0: {  	v0 =	vld [tilespmem:s9+$0x1C50];
	_ =	sdelay $0x4  }
0xb1: {  	[tilespmem:$0x45D0] =	vst v0  }
0xb2: {  	v0 =	vld [tilespmem:s9+$0x1C60];
	_ =	sdelay $0x4  }
0xb3: {  	[tilespmem:$0x45E0] =	vst v0  }
0xb4: {  	v0 =	vld [tilespmem:s9+$0x1C70];
	_ =	sdelay $0x4  }
0xb5: {  	[tilespmem:$0x45F0] =	vst v0  }
0xb6: {  	v0 =	vld [tilespmem:s9+$0x2000];
	_ =	sdelay $0x4  }
0xb7: {  	[tilespmem:$0x4980] =	vst v0  }
0xb8: {  	v0 =	vld [tilespmem:s9+$0x2010];
	_ =	sdelay $0x4  }
0xb9: {  	[tilespmem:$0x4990] =	vst v0  }
0xba: {  	v0 =	vld [tilespmem:s9+$0x2020];
	_ =	sdelay $0x4  }
0xbb: {  	[tilespmem:$0x49A0] =	vst v0  }
0xbc: {  	v0 =	vld [tilespmem:s9+$0x2030];
	_ =	sdelay $0x4  }
0xbd: {  	[tilespmem:$0x49B0] =	vst v0  }
0xbe: {  	v0 =	vld [tilespmem:s9+$0x2040];
	_ =	sdelay $0x4  }
0xbf: {  	[tilespmem:$0x49C0] =	vst v0  }
0xc0: {  	v0 =	vld [tilespmem:s9+$0x2050];
	_ =	sdelay $0x4  }
0xc1: {  	s9 =	sor.u32 $0x2060, s9;
	[tilespmem:$0x49D0] =	vst v0  }
0xc2: {  	v0 =	vld.msk [tilespmem:s9+$0x0], $0xff;
	_ =	sdelay $0x3  }
0xc3: {  	s24 =	simm.s32 $0x49E0;
	s8 =	sshll.u32 s8, $0x7  }
0xc4: {  	s8 =	sand.u32 $0x380, s8;
	[tilespmem:s24+$0x0] =	vst.msk $0xff, v0  }
0xc5: {  	v0 =	vld [tilespmem:s8+$0x2400];
	_ =	sdelay $0x4  }
0xc6: {  	[tilespmem:$0x4600] =	vst v0  }
0xc7: {  	v0 =	vld [tilespmem:s8+$0x2410];
	_ =	sdelay $0x4  }
0xc8: {  	[tilespmem:$0x4610] =	vst v0  }
0xc9: {  	v0 =	vld [tilespmem:s8+$0x2420];
	_ =	sdelay $0x4  }
0xca: {  	[tilespmem:$0x4620] =	vst v0  }
0xcb: {  	v0 =	vld [tilespmem:s8+$0x2430];
	_ =	sdelay $0x4  }
0xcc: {  	[tilespmem:$0x4630] =	vst v0  }
0xcd: {  	v0 =	vld [tilespmem:s8+$0x2440];
	_ =	sdelay $0x4  }
0xce: {  	[tilespmem:$0x4640] =	vst v0  }
0xcf: {  	v0 =	vld [tilespmem:s8+$0x2450];
	_ =	sdelay $0x4  }
0xd0: {  	[tilespmem:$0x4650] =	vst v0  }
0xd1: {  	v0 =	vld [tilespmem:s8+$0x2460];
	_ =	sdelay $0x4  }
0xd2: {  	[tilespmem:$0x4660] =	vst v0  }
0xd3: {  	v0 =	vld [tilespmem:s8+$0x2470];
	_ =	sdelay $0x4  }
0xd4: {  	[tilespmem:$0x4670] =	vst v0  }
0xd5: {  	v0 =	vld [tilespmem:s8+$0x2800];
	_ =	sdelay $0x4  }
0xd6: {  	[tilespmem:$0x4A00] =	vst v0  }
0xd7: {  	v0 =	vld [tilespmem:s8+$0x2810];
	_ =	sdelay $0x4  }
0xd8: {  	[tilespmem:$0x4A10] =	vst v0  }
0xd9: {  	v0 =	vld [tilespmem:s8+$0x2820];
	_ =	sdelay $0x4  }
0xda: {  	[tilespmem:$0x4A20] =	vst v0  }
0xdb: {  	v0 =	vld [tilespmem:s8+$0x2830];
	_ =	sdelay $0x4  }
0xdc: {  	[tilespmem:$0x4A30] =	vst v0  }
0xdd: {  	v0 =	vld [tilespmem:s8+$0x2840];
	_ =	sdelay $0x4  }
0xde: {  	[tilespmem:$0x4A40] =	vst v0  }
0xdf: {  	v0 =	vld [tilespmem:s8+$0x2850];
	_ =	sdelay $0x4  }
0xe0: {  	s8 =	sor.u32 $0x2860, s8;
	[tilespmem:$0x4A50] =	vst v0  }
0xe1: {  	v0 =	vld.msk [tilespmem:s8+$0x0], $0xff;
	_ =	sdelay $0x3  }
0xe2: {  	s25 =	simm.s32 $0x4A60;
	s7 =	sshll.u32 s7, $0x7  }
0xe3: {  	s7 =	sand.u32 $0x380, s7;
	[tilespmem:s25+$0x0] =	vst.msk $0xff, v0  }
0xe4: {  	v0 =	vld [tilespmem:s7+$0x2C00];
	_ =	sdelay $0x4  }
0xe5: {  	[tilespmem:$0x4680] =	vst v0  }
0xe6: {  	v0 =	vld [tilespmem:s7+$0x2C10];
	_ =	sdelay $0x4  }
0xe7: {  	[tilespmem:$0x4690] =	vst v0  }
0xe8: {  	v0 =	vld [tilespmem:s7+$0x2C20];
	_ =	sdelay $0x4  }
0xe9: {  	[tilespmem:$0x46A0] =	vst v0  }
0xea: {  	v0 =	vld [tilespmem:s7+$0x2C30];
	_ =	sdelay $0x4  }
0xeb: {  	[tilespmem:$0x46B0] =	vst v0  }
0xec: {  	v0 =	vld [tilespmem:s7+$0x2C40];
	_ =	sdelay $0x4  }
0xed: {  	[tilespmem:$0x46C0] =	vst v0  }
0xee: {  	v0 =	vld [tilespmem:s7+$0x2C50];
	_ =	sdelay $0x4  }
0xef: {  	[tilespmem:$0x46D0] =	vst v0  }
0xf0: {  	v0 =	vld [tilespmem:s7+$0x2C60];
	_ =	sdelay $0x4  }
0xf1: {  	[tilespmem:$0x46E0] =	vst v0  }
0xf2: {  	v0 =	vld [tilespmem:s7+$0x2C70];
	_ =	sdelay $0x4  }
0xf3: {  	[tilespmem:$0x46F0] =	vst v0  }
0xf4: {  	v0 =	vld [tilespmem:s7+$0x3000];
	_ =	sdelay $0x4  }
0xf5: {  	[tilespmem:$0x4A80] =	vst v0  }
0xf6: {  	v0 =	vld [tilespmem:s7+$0x3010];
	_ =	sdelay $0x4  }
0xf7: {  	[tilespmem:$0x4A90] =	vst v0  }
0xf8: {  	v0 =	vld [tilespmem:s7+$0x3020];
	_ =	sdelay $0x4  }
0xf9: {  	[tilespmem:$0x4AA0] =	vst v0  }
0xfa: {  	v0 =	vld [tilespmem:s7+$0x3030];
	_ =	sdelay $0x4  }
0xfb: {  	[tilespmem:$0x4AB0] =	vst v0  }
0xfc: {  	v0 =	vld [tilespmem:s7+$0x3040];
	_ =	sdelay $0x4  }
0xfd: {  	[tilespmem:$0x4AC0] =	vst v0  }
0xfe: {  	v0 =	vld [tilespmem:s7+$0x3050];
	_ =	sdelay $0x4  }
0xff: {  	s7 =	sor.u32 $0x3060, s7;
	[tilespmem:$0x4AD0] =	vst v0  }
0x100: {  	v0 =	vld.msk [tilespmem:s7+$0x0], $0xff;
	_ =	sdelay $0x3  }
0x101: {  	s26 =	simm.s32 $0x4AE0;
	s6 =	sshll.u32 s31, $0x7  }
0x102: {  	s6 =	sand.u32 $0x380, s6;
	[tilespmem:s26+$0x0] =	vst.msk $0xff, v0  }
0x103: {  	v0 =	vld [tilespmem:s6+$0x3400];
	_ =	sdelay $0x4  }
0x104: {  	[tilespmem:$0x4700] =	vst v0  }
0x105: {  	v0 =	vld [tilespmem:s6+$0x3410];
	_ =	sdelay $0x4  }
0x106: {  	[tilespmem:$0x4710] =	vst v0  }
0x107: {  	v0 =	vld [tilespmem:s6+$0x3420];
	_ =	sdelay $0x4  }
0x108: {  	[tilespmem:$0x4720] =	vst v0  }
0x109: {  	v0 =	vld [tilespmem:s6+$0x3430];
	_ =	sdelay $0x4  }
0x10a: {  	[tilespmem:$0x4730] =	vst v0  }
0x10b: {  	v0 =	vld [tilespmem:s6+$0x3440];
	_ =	sdelay $0x4  }
0x10c: {  	[tilespmem:$0x4740] =	vst v0  }
0x10d: {  	v0 =	vld [tilespmem:s6+$0x3450];
	_ =	sdelay $0x4  }
0x10e: {  	[tilespmem:$0x4750] =	vst v0  }
0x10f: {  	v0 =	vld [tilespmem:s6+$0x3460];
	_ =	sdelay $0x4  }
0x110: {  	[tilespmem:$0x4760] =	vst v0  }
0x111: {  	v0 =	vld [tilespmem:s6+$0x3470];
	_ =	sdelay $0x4  }
0x112: {  	[tilespmem:$0x4770] =	vst v0  }
0x113: {  	v0 =	vld [tilespmem:s6+$0x3800];
	_ =	sdelay $0x4  }
0x114: {  	[tilespmem:$0x4B00] =	vst v0  }
0x115: {  	v0 =	vld [tilespmem:s6+$0x3810];
	_ =	sdelay $0x4  }
0x116: {  	[tilespmem:$0x4B10] =	vst v0  }
0x117: {  	v0 =	vld [tilespmem:s6+$0x3820];
	_ =	sdelay $0x4  }
0x118: {  	[tilespmem:$0x4B20] =	vst v0  }
0x119: {  	v0 =	vld [tilespmem:s6+$0x3830];
	_ =	sdelay $0x4  }
0x11a: {  	[tilespmem:$0x4B30] =	vst v0  }
0x11b: {  	v0 =	vld [tilespmem:s6+$0x3840];
	_ =	sdelay $0x4  }
0x11c: {  	[tilespmem:$0x4B40] =	vst v0  }
0x11d: {  	v0 =	vld [tilespmem:s6+$0x3850];
	_ =	sdelay $0x4  }
0x11e: {  	s6 =	sor.u32 $0x3860, s6;
	[tilespmem:$0x4B50] =	vst v0  }
0x11f: {  	v0 =	vld.msk [tilespmem:s6+$0x0], $0xff;
	_ =	sdelay $0x3  }
0x120: {  	s28 =	simm.s32 $0x4B60;
	s5 =	sshll.u32 s17, $0x7  }
0x121: {  	s5 =	sand.u32 $0x380, s5;
	[tilespmem:s28+$0x0] =	vst.msk $0xff, v0  }
0x122: {  	v0 =	vld [tilespmem:s5+$0x3C00];
	_ =	sdelay $0x4  }
0x123: {  	[tilespmem:$0x4780] =	vst v0  }
0x124: {  	v0 =	vld [tilespmem:s5+$0x3C10];
	_ =	sdelay $0x4  }
0x125: {  	[tilespmem:$0x4790] =	vst v0  }
0x126: {  	v0 =	vld [tilespmem:s5+$0x3C20];
	_ =	sdelay $0x4  }
0x127: {  	[tilespmem:$0x47A0] =	vst v0  }
0x128: {  	v0 =	vld [tilespmem:s5+$0x3C30];
	_ =	sdelay $0x4  }
0x129: {  	[tilespmem:$0x47B0] =	vst v0  }
0x12a: {  	v0 =	vld [tilespmem:s5+$0x3C40];
	_ =	sdelay $0x4  }
0x12b: {  	[tilespmem:$0x47C0] =	vst v0  }
0x12c: {  	v0 =	vld [tilespmem:s5+$0x3C50];
	_ =	sdelay $0x4  }
0x12d: {  	[tilespmem:$0x47D0] =	vst v0  }
0x12e: {  	v0 =	vld [tilespmem:s5+$0x3C60];
	_ =	sdelay $0x4  }
0x12f: {  	[tilespmem:$0x47E0] =	vst v0  }
0x130: {  	v0 =	vld [tilespmem:s5+$0x3C70];
	_ =	sdelay $0x4  }
0x131: {  	[tilespmem:$0x47F0] =	vst v0  }
0x132: {  	v0 =	vld [tilespmem:s5+$0x4000];
	_ =	sdelay $0x4  }
0x133: {  	[tilespmem:$0x4B80] =	vst v0  }
0x134: {  	v0 =	vld [tilespmem:s5+$0x4010];
	_ =	sdelay $0x4  }
0x135: {  	[tilespmem:$0x4B90] =	vst v0  }
0x136: {  	v0 =	vld [tilespmem:s5+$0x4020];
	_ =	sdelay $0x4  }
0x137: {  	[tilespmem:$0x4BA0] =	vst v0  }
0x138: {  	v0 =	vld [tilespmem:s5+$0x4030];
	_ =	sdelay $0x4  }
0x139: {  	[tilespmem:$0x4BB0] =	vst v0  }
0x13a: {  	v0 =	vld [tilespmem:s5+$0x4040];
	_ =	sdelay $0x4  }
0x13b: {  	[tilespmem:$0x4BC0] =	vst v0  }
0x13c: {  	v0 =	vld [tilespmem:s5+$0x4050];
	_ =	sdelay $0x4  }
0x13d: {  	s5 =	sor.u32 $0x4060, s5;
	[tilespmem:$0x4BD0] =	vst v0  }
0x13e: {  	v0 =	vld.msk [tilespmem:s5+$0x0], $0xff;
	_ =	sdelay $0x3  }
0x13f: {  	s29 =	sshll.u32 s1, $0x8;
	s30 =	simm.s32 $0x4BE0  }
0x140: {  	s31 =	simm.s32 $0x4400;
	s3 =	sadd.s32 s3, s29;
	[tilespmem:s30+$0x0] =	vst.msk $0xff, v0  }
0x141: {  	[hbm4b:s3+s2] =	stream.linear.scatter [tilespmem:s31], [sflag:$0x2], $0x800, $0x38;
	[tilespmem:$0x4C00] =	vst v63  }
0x142: {  	_ =	swait.ge [sflag:s4], $0x800  }
0x143: {  	[sflag:s4] =	ssyncset.done $0x0  }
0x144: {  	[sflag:s4] =	ssyncadd.s32 $0xFFFFF800  }
.LBB2_2:
0x145: {  	_ =	sfence.sel $0x180000  }
0x146: {  	[bflag:$0x0] =	sbarrier.arrive $0xFFFF  }
0x147: {  	p0 =	sne.s32 s1, $0x0;
	_ =	strace $0x90000047  }
0x148: {  	s0 =	sadd.s32 @!p0 $0x100000, s0;
	[bflag:$0x2] =	sbarrier.arrive $0xFFFF  }
0x149: {  	[sflag:s0] =	ssyncadd.tile.s32 @!p0 $0x1;
	_ =	shalt  }
.Lfunc_end2:
_tile_overlayer_lowered:
.L_overlay_start_2:
0x14a: {  	(tag) =	ssettag $0x2  }
0x14b: {  	s0 =	rddreg [dreg:$0x0];
	s2 =	stileid.u32  }
0x14c: {  	s1 =	rddreg [dreg:$0x1];
	p0 =	sne.s32 s2, $0x0  }
0x14d: {  	s3 =	rddreg [dreg:$0x2];
	[bflag:$0x3] =	sbarrier.arrive $0xFFFF;
	s2 =	simm.s32 @!p0 $0x1C02  }
0x14e: {  	[timem:s3], [sflag:s2] =	dma.local @!p0 [hbm:s0], s1  }
0x14f: {  	s0 =	simm.s32 @!p0 $0x2  }
0x150: {  	_ =	swait.ge @!p0 [sflag:s0], s1  }
0x151: {  	s1 =	ssub.s32 @!p0 $0x0, s1;
	[sflag:s0] =	ssyncset.done @!p0 $0x0  }
0x152: {  	[sflag:s0] =	ssyncadd.s32 @!p0 s1  }
0x153: {  	[bflag:$0x3] =	sbarrier.arrive $0xFFFF  }
0x154: {  	_ =	shalt  }

</sc_bundles>
